<compile_context>
chip_gen: v7x
topology: tpu7x:2x2x1
jax: 0.10.2.dev20260603
libtpu: 0.0.44.dev20260713+nightly
codegen_flags: <defaults>
</compile_context>

<pallas_src>
import functools

import jax
import jax.numpy as jnp
from jax import lax
from jax.experimental import pallas as pl
from jax.experimental.pallas import tpu as pltpu
from jax.experimental.pallas import tpu_sc as plsc

_B = 4096
_L = 200
_EMB = 64
_W = 128
_C0 = 128
_C1 = _L - _C0
_NBUF = 4
_G = 2

_info = plsc.get_sparse_core_info()
_NC, _NS = _info.num_cores, _info.num_subcores
_NW = _NC * _NS
_BATCHES_PER_W = _B // _NW
_IDS_PER_W = _BATCHES_PER_W * _L
_NBLK = _BATCHES_PER_W // _NBUF


def _make_lookup():
    mesh = plsc.VectorSubcoreMesh(core_axis_name="c", subcore_axis_name="s")

    @functools.partial(
        pl.kernel,
        mesh=mesh,
        compiler_params=pltpu.CompilerParams(use_tc_tiling_on_sc=False),
        out_type=jax.ShapeDtypeStruct((_B, _L, _W), jnp.float32),
        scratch_types=(
            [pltpu.VMEM((_IDS_PER_W,), jnp.int32),
             pltpu.VMEM((_NBUF, _L, _EMB), jnp.float32)]
            + [pltpu.SemaphoreType.DMA] * (2 * _NBUF)
        ),
    )
    def lookup(ids_hbm, table_hbm, out_hbm, idx_v, rows_v, *sems):
        gsem = sems[:_NBUF]
        wsem = sems[_NBUF:]
        wid = lax.axis_index("s") * _NC + lax.axis_index("c")
        base = wid * _BATCHES_PER_W
        pltpu.sync_copy(ids_hbm.at[pl.ds(base * _L, _IDS_PER_W)], idx_v)

        def start_gather(i, s):
            pltpu.async_copy(table_hbm.at[idx_v.at[pl.ds(i * _L, _C0)]],
                             rows_v.at[s, pl.ds(0, _C0)], gsem[s])
            pltpu.async_copy(table_hbm.at[idx_v.at[pl.ds(i * _L + _C0, _C1)]],
                             rows_v.at[s, pl.ds(_C0, _C1)], gsem[s])

        def wait_gather(s):
            pltpu.make_async_copy(table_hbm.at[pl.ds(0, _L)], rows_v.at[s],
                                  gsem[s]).wait()

        def start_write(i, s):
            pltpu.async_copy(rows_v.at[s],
                             out_hbm.at[base + i, slice(None), pl.ds(0, _EMB)],
                             wsem[s])

        def wait_write(i, s):
            pltpu.make_async_copy(rows_v.at[s],
                                  out_hbm.at[base + i, slice(None),
                                             pl.ds(0, _EMB)],
                                  wsem[s]).wait()

        for s in range(_G):
            start_gather(s, s)

        for s in range(_NBUF):
            i = s
            wait_gather(s)
            start_write(i, s)
            ig = i + _G
            sg = ig % _NBUF
            if ig >= _NBUF:
                wait_write(ig - _NBUF, sg)
            start_gather(ig, sg)

        def block(k, carry):
            i0 = k * _NBUF
            for s in range(_NBUF):
                i = i0 + s
                wait_gather(s)
                start_write(i, s)
                ig = i + _G
                sg = (s + _G) % _NBUF
                wait_write(ig - _NBUF, sg)
                start_gather(ig, sg)
            return carry

        lax.fori_loop(1, _NBLK - 1, block, 0)

        i0 = (_NBLK - 1) * _NBUF
        for s in range(_NBUF):
            i = i0 + s
            wait_gather(s)
            start_write(i, s)
            ig = i + _G
            if ig < _BATCHES_PER_W:
                sg = (s + _G) % _NBUF
                wait_write(ig - _NBUF, sg)
                start_gather(ig, sg)

        for s in range(_NBUF):
            wait_write(i0 + s, s)

    return lookup


_lookup = _make_lookup()


def kernel(word_ids, word_emb_table):
    ids_flat = word_ids.astype(jnp.int32).reshape(-1)
    out = _lookup(ids_flat, word_emb_table)
    return out[:, :, :_EMB]

# --- scband reference (transcript-rebuilt; emitter-appended) ---
"""Pipeline reference for scband-word-embedding-34961033789857 (READ-ONLY COPY).

The authoritative reference and input builder live on the scoring server;
editing this copy changes nothing except your own understanding.
"""

import jax, jax.numpy as jnp
import numpy as np

N_WORDS = 1000000
EMB = 64
B = 4096
L = 200

def setup_inputs(seed: int = 0) -> dict:
    key = jax.random.key(seed)
    k1, k2 = jax.random.split(key)
    word_ids = jax.random.randint(k1, (B, L), 0, N_WORDS, dtype=jnp.int64 if jax.config.read('jax_enable_x64') else jnp.int32)
    word_emb_table = jax.random.normal(k2, (N_WORDS, EMB), dtype=jnp.float32) * 0.02
    return {"word_ids": word_ids, "word_emb_table": word_emb_table}

def reference(word_ids, word_emb_table):
    # nn.Embedding lookup: (B, L) -> (B, L, EMB)
    word_emb = jnp.take(word_emb_table, word_ids, axis=0)
    return word_emb

if __name__ == "__main__":
    import jax
    _d = setup_inputs()
    print(jax.jit(kernel)(*tuple(_d.values())))

</pallas_src>

<mosaic_0001>
#map = affine_map<(d0, d1) -> (0)>
#map1 = affine_map<(d0, d1) -> (0, 0)>
#map2 = affine_map<(d0, d1) -> (0, 0, 0)>
module attributes {stable_mosaic.version = 14 : i64} {
  func.func @lookup(%arg0: i32, %arg1: i32, %arg2: memref<819200xi32, #tpu.memory_space<hbm>>, %arg3: memref<1000000x64xf32, #tpu.memory_space<hbm>>, %arg4: memref<4096x200x128xf32, #tpu.memory_space<hbm>>, %arg5: memref<25600xi32, #tpu.memory_space<vmem>>, %arg6: memref<4x200x64xf32, #tpu.memory_space<vmem>>, %arg7: memref<!tpu.dma_semaphore, #tpu.memory_space<semaphore_mem>>, %arg8: memref<!tpu.dma_semaphore, #tpu.memory_space<semaphore_mem>>, %arg9: memref<!tpu.dma_semaphore, #tpu.memory_space<semaphore_mem>>, %arg10: memref<!tpu.dma_semaphore, #tpu.memory_space<semaphore_mem>>, %arg11: memref<!tpu.dma_semaphore, #tpu.memory_space<semaphore_mem>>, %arg12: memref<!tpu.dma_semaphore, #tpu.memory_space<semaphore_mem>>, %arg13: memref<!tpu.dma_semaphore, #tpu.memory_space<semaphore_mem>>, %arg14: memref<!tpu.dma_semaphore, #tpu.memory_space<semaphore_mem>>) attributes {dimension_semantics = [#tpu.dimension_semantics<core_parallel>, #tpu.dimension_semantics<subcore_parallel>], iteration_bounds = array<i64: 2, 16>, scalar_prefetch = 0 : i64, scratch_operands = 10 : i64, tpu.core_type = #tpu.core_type<sc_vector_subcore>, window_params = [{transform_indices = #map}, {transform_indices = #map1}, {transform_indices = #map2}]} {
    %mul3A = arith.constant 2 : i32
    %mul3A_0 = arith.muli %arg1, %mul3A : i32
    %add3A = arith.addi %mul3A_0, %arg0 : i32
    %mul3A_1 = arith.constant 128 : i32
    %mul3A_2 = arith.muli %add3A, %mul3A_1 : i32
    %mul3A_3 = arith.constant 200 : i32
    %mul3A_4 = arith.muli %mul3A_2, %mul3A_3 : i32
    "tpu.region"() ({
      %run_scoped3A = tpu.sem_alloc : memref<!tpu.dma_semaphore, #tpu.memory_space<semaphore_mem>>
      %dma_start3A_592 = tpu.memref_slice %arg2[%mul3A_4] : memref<819200xi32, #tpu.memory_space<hbm>> -> memref<25600xi32, #tpu.memory_space<hbm>>
      %dma_start3A_593 = tpu.memref_slice %arg2[%mul3A_4] : memref<819200xi32, #tpu.memory_space<hbm>> -> memref<25600xi32, #tpu.memory_space<hbm>>
      tpu.enqueue_dma source(%dma_start3A_593 : memref<25600xi32, #tpu.memory_space<hbm>>) target(%arg5 : memref<25600xi32, #tpu.memory_space<vmem>>) target_semaphore(%run_scoped3A : memref<!tpu.dma_semaphore, #tpu.memory_space<semaphore_mem>>)
      %dma_wait3A_594 = tpu.memref_slice %arg2[%mul3A_4] : memref<819200xi32, #tpu.memory_space<hbm>> -> memref<25600xi32, #tpu.memory_space<hbm>>
      %dma_wait3A_595 = tpu.memref_slice %arg2[%mul3A_4] : memref<819200xi32, #tpu.memory_space<hbm>> -> memref<25600xi32, #tpu.memory_space<hbm>>
      tpu.wait_dma2 semaphore(%run_scoped3A : memref<!tpu.dma_semaphore, #tpu.memory_space<semaphore_mem>>) src(%dma_wait3A_595 : memref<25600xi32, #tpu.memory_space<hbm>>) dst(%arg5 : memref<25600xi32, #tpu.memory_space<vmem>>)
      tpu.yield
    }) : () -> ()
    %dma_start3A = arith.constant 0 : i32
    %dma_start3A_5 = arith.constant 0 : i32
    %dma_start3A_6 = arith.constant 0 : i32
    %dma_start3A_7 = tpu.memref_slice %arg6[%dma_start3A, %dma_start3A_5, %dma_start3A_6] : memref<4x200x64xf32, #tpu.memory_space<vmem>> -> memref<1x128x64xf32, #tpu.memory_space<vmem>>
    %dma_start3A_8 = tpu.memref_squeeze %dma_start3A_7 : memref<1x128x64xf32, #tpu.memory_space<vmem>> -> memref<128x64xf32, #tpu.memory_space<vmem>>
    %dma_start3A_9 = arith.constant 0 : i32
    %dma_start3A_10 = tpu.memref_slice %arg5[%dma_start3A_9] : memref<25600xi32, #tpu.memory_space<vmem>> -> memref<128xi32, #tpu.memory_space<vmem>>
    %dma_start3A_11 = arith.constant 0 : i32
    %dma_start3A_12 = arith.constant 0 : i32
    %dma_start3A_13 = tpu.memref_slice %arg3[%dma_start3A_11, %dma_start3A_12] : memref<1000000x64xf32, #tpu.memory_space<hbm>> -> memref<1000000x64xf32, #tpu.memory_space<hbm>>
    tpu.enqueue_indirect_dma source(%dma_start3A_13 : memref<1000000x64xf32, #tpu.memory_space<hbm>>) target(%dma_start3A_8 : memref<128x64xf32, #tpu.memory_space<vmem>>) offsets(%dma_start3A_10 : memref<128xi32, #tpu.memory_space<vmem>>) semaphore(%arg7 : memref<!tpu.dma_semaphore, #tpu.memory_space<semaphore_mem>>)
    %dma_start3A_14 = arith.constant 0 : i32
    %dma_start3A_15 = arith.constant 128 : i32
    %dma_start3A_16 = arith.constant 0 : i32
    %dma_start3A_17 = tpu.memref_slice %arg6[%dma_start3A_14, %dma_start3A_15, %dma_start3A_16] : memref<4x200x64xf32, #tpu.memory_space<vmem>> -> memref<1x72x64xf32, #tpu.memory_space<vmem>>
    %dma_start3A_18 = tpu.memref_squeeze %dma_start3A_17 : memref<1x72x64xf32, #tpu.memory_space<vmem>> -> memref<72x64xf32, #tpu.memory_space<vmem>>
    %dma_start3A_19 = arith.constant 128 : i32
    %dma_start3A_20 = tpu.memref_slice %arg5[%dma_start3A_19] : memref<25600xi32, #tpu.memory_space<vmem>> -> memref<72xi32, #tpu.memory_space<vmem>>
    %dma_start3A_21 = arith.constant 0 : i32
    %dma_start3A_22 = arith.constant 0 : i32
    %dma_start3A_23 = tpu.memref_slice %arg3[%dma_start3A_21, %dma_start3A_22] : memref<1000000x64xf32, #tpu.memory_space<hbm>> -> memref<1000000x64xf32, #tpu.memory_space<hbm>>
    tpu.enqueue_indirect_dma source(%dma_start3A_23 : memref<1000000x64xf32, #tpu.memory_space<hbm>>) target(%dma_start3A_18 : memref<72x64xf32, #tpu.memory_space<vmem>>) offsets(%dma_start3A_20 : memref<72xi32, #tpu.memory_space<vmem>>) semaphore(%arg7 : memref<!tpu.dma_semaphore, #tpu.memory_space<semaphore_mem>>)
    %dma_start3A_24 = arith.constant 1 : i32
    %dma_start3A_25 = arith.constant 0 : i32
    %dma_start3A_26 = arith.constant 0 : i32
    %dma_start3A_27 = tpu.memref_slice %arg6[%dma_start3A_24, %dma_start3A_25, %dma_start3A_26] : memref<4x200x64xf32, #tpu.memory_space<vmem>> -> memref<1x128x64xf32, #tpu.memory_space<vmem>>
    %dma_start3A_28 = tpu.memref_squeeze %dma_start3A_27 : memref<1x128x64xf32, #tpu.memory_space<vmem>> -> memref<128x64xf32, #tpu.memory_space<vmem>>
    %dma_start3A_29 = arith.constant 200 : i32
    %dma_start3A_30 = tpu.memref_slice %arg5[%dma_start3A_29] : memref<25600xi32, #tpu.memory_space<vmem>> -> memref<128xi32, #tpu.memory_space<vmem>>
    %dma_start3A_31 = arith.constant 0 : i32
    %dma_start3A_32 = arith.constant 0 : i32
    %dma_start3A_33 = tpu.memref_slice %arg3[%dma_start3A_31, %dma_start3A_32] : memref<1000000x64xf32, #tpu.memory_space<hbm>> -> memref<1000000x64xf32, #tpu.memory_space<hbm>>
    tpu.enqueue_indirect_dma source(%dma_start3A_33 : memref<1000000x64xf32, #tpu.memory_space<hbm>>) target(%dma_start3A_28 : memref<128x64xf32, #tpu.memory_space<vmem>>) offsets(%dma_start3A_30 : memref<128xi32, #tpu.memory_space<vmem>>) semaphore(%arg8 : memref<!tpu.dma_semaphore, #tpu.memory_space<semaphore_mem>>)
    %dma_start3A_34 = arith.constant 1 : i32
    %dma_start3A_35 = arith.constant 128 : i32
    %dma_start3A_36 = arith.constant 0 : i32
    %dma_start3A_37 = tpu.memref_slice %arg6[%dma_start3A_34, %dma_start3A_35, %dma_start3A_36] : memref<4x200x64xf32, #tpu.memory_space<vmem>> -> memref<1x72x64xf32, #tpu.memory_space<vmem>>
    %dma_start3A_38 = tpu.memref_squeeze %dma_start3A_37 : memref<1x72x64xf32, #tpu.memory_space<vmem>> -> memref<72x64xf32, #tpu.memory_space<vmem>>
    %dma_start3A_39 = arith.constant 328 : i32
    %dma_start3A_40 = tpu.memref_slice %arg5[%dma_start3A_39] : memref<25600xi32, #tpu.memory_space<vmem>> -> memref<72xi32, #tpu.memory_space<vmem>>
    %dma_start3A_41 = arith.constant 0 : i32
    %dma_start3A_42 = arith.constant 0 : i32
    %dma_start3A_43 = tpu.memref_slice %arg3[%dma_start3A_41, %dma_start3A_42] : memref<1000000x64xf32, #tpu.memory_space<hbm>> -> memref<1000000x64xf32, #tpu.memory_space<hbm>>
    tpu.enqueue_indirect_dma source(%dma_start3A_43 : memref<1000000x64xf32, #tpu.memory_space<hbm>>) target(%dma_start3A_38 : memref<72x64xf32, #tpu.memory_space<vmem>>) offsets(%dma_start3A_40 : memref<72xi32, #tpu.memory_space<vmem>>) semaphore(%arg8 : memref<!tpu.dma_semaphore, #tpu.memory_space<semaphore_mem>>)
    %dma_wait3A = arith.constant 0 : i32
    %dma_wait3A_44 = arith.constant 0 : i32
    %dma_wait3A_45 = arith.constant 0 : i32
    %dma_wait3A_46 = tpu.memref_slice %arg6[%dma_wait3A, %dma_wait3A_44, %dma_wait3A_45] : memref<4x200x64xf32, #tpu.memory_space<vmem>> -> memref<1x200x64xf32, #tpu.memory_space<vmem>>
    %dma_wait3A_47 = tpu.memref_squeeze %dma_wait3A_46 : memref<1x200x64xf32, #tpu.memory_space<vmem>> -> memref<200x64xf32, #tpu.memory_space<vmem>>
    %dma_wait3A_48 = arith.constant 0 : i32
    %dma_wait3A_49 = arith.constant 0 : i32
    %dma_wait3A_50 = tpu.memref_slice %arg3[%dma_wait3A_48, %dma_wait3A_49] : memref<1000000x64xf32, #tpu.memory_space<hbm>> -> memref<200x64xf32, #tpu.memory_space<hbm>>
    %dma_wait3A_51 = arith.constant 0 : i32
    %dma_wait3A_52 = arith.constant 0 : i32
    %dma_wait3A_53 = tpu.memref_slice %arg6[%dma_wait3A, %dma_wait3A_51, %dma_wait3A_52] : memref<4x200x64xf32, #tpu.memory_space<vmem>> -> memref<1x200x64xf32, #tpu.memory_space<vmem>>
    %dma_wait3A_54 = tpu.memref_squeeze %dma_wait3A_53 : memref<1x200x64xf32, #tpu.memory_space<vmem>> -> memref<200x64xf32, #tpu.memory_space<vmem>>
    %dma_wait3A_55 = arith.constant 0 : i32
    %dma_wait3A_56 = arith.constant 0 : i32
    %dma_wait3A_57 = tpu.memref_slice %arg3[%dma_wait3A_55, %dma_wait3A_56] : memref<1000000x64xf32, #tpu.memory_space<hbm>> -> memref<200x64xf32, #tpu.memory_space<hbm>>
    tpu.wait_dma2 semaphore(%arg7 : memref<!tpu.dma_semaphore, #tpu.memory_space<semaphore_mem>>) src(%dma_wait3A_57 : memref<200x64xf32, #tpu.memory_space<hbm>>) dst(%dma_wait3A_54 : memref<200x64xf32, #tpu.memory_space<vmem>>)
    %add3A_58 = arith.constant 0 : i32
    %add3A_59 = arith.addi %mul3A_2, %add3A_58 : i32
    %dma_start3A_60 = arith.constant 0 : i32
    %dma_start3A_61 = arith.constant 0 : i32
    %dma_start3A_62 = arith.constant 0 : i32
    %dma_start3A_63 = tpu.memref_slice %arg6[%dma_start3A_60, %dma_start3A_61, %dma_start3A_62] : memref<4x200x64xf32, #tpu.memory_space<vmem>> -> memref<1x200x64xf32, #tpu.memory_space<vmem>>
    %dma_start3A_64 = tpu.memref_squeeze %dma_start3A_63 : memref<1x200x64xf32, #tpu.memory_space<vmem>> -> memref<200x64xf32, #tpu.memory_space<vmem>>
    %dma_start3A_65 = arith.constant 0 : i32
    %dma_start3A_66 = arith.constant 0 : i32
    %dma_start3A_67 = tpu.memref_slice %arg4[%add3A_59, %dma_start3A_65, %dma_start3A_66] : memref<4096x200x128xf32, #tpu.memory_space<hbm>> -> memref<1x200x64xf32, #tpu.memory_space<hbm>>
    %dma_start3A_68 = tpu.memref_squeeze %dma_start3A_67 : memref<1x200x64xf32, #tpu.memory_space<hbm>> -> memref<200x64xf32, #tpu.memory_space<hbm>>
    %dma_start3A_69 = arith.constant 0 : i32
    %dma_start3A_70 = arith.constant 0 : i32
    %dma_start3A_71 = tpu.memref_slice %arg4[%add3A_59, %dma_start3A_69, %dma_start3A_70] : memref<4096x200x128xf32, #tpu.memory_space<hbm>> -> memref<1x200x64xf32, #tpu.memory_space<hbm>>
    %dma_start3A_72 = tpu.memref_squeeze %dma_start3A_71 : memref<1x200x64xf32, #tpu.memory_space<hbm>> -> memref<200x64xf32, #tpu.memory_space<hbm>>
    %dma_start3A_73 = arith.constant 0 : i32
    %dma_start3A_74 = arith.constant 0 : i32
    %dma_start3A_75 = tpu.memref_slice %arg6[%dma_start3A_60, %dma_start3A_73, %dma_start3A_74] : memref<4x200x64xf32, #tpu.memory_space<vmem>> -> memref<1x200x64xf32, #tpu.memory_space<vmem>>
    %dma_start3A_76 = tpu.memref_squeeze %dma_start3A_75 : memref<1x200x64xf32, #tpu.memory_space<vmem>> -> memref<200x64xf32, #tpu.memory_space<vmem>>
    tpu.enqueue_dma source(%dma_start3A_76 : memref<200x64xf32, #tpu.memory_space<vmem>>) target(%dma_start3A_72 : memref<200x64xf32, #tpu.memory_space<hbm>>) target_semaphore(%arg11 : memref<!tpu.dma_semaphore, #tpu.memory_space<semaphore_mem>>)
    %dma_start3A_77 = arith.constant 2 : i32
    %dma_start3A_78 = arith.constant 0 : i32
    %dma_start3A_79 = arith.constant 0 : i32
    %dma_start3A_80 = tpu.memref_slice %arg6[%dma_start3A_77, %dma_start3A_78, %dma_start3A_79] : memref<4x200x64xf32, #tpu.memory_space<vmem>> -> memref<1x128x64xf32, #tpu.memory_space<vmem>>
    %dma_start3A_81 = tpu.memref_squeeze %dma_start3A_80 : memref<1x128x64xf32, #tpu.memory_space<vmem>> -> memref<128x64xf32, #tpu.memory_space<vmem>>
    %dma_start3A_82 = arith.constant 400 : i32
    %dma_start3A_83 = tpu.memref_slice %arg5[%dma_start3A_82] : memref<25600xi32, #tpu.memory_space<vmem>> -> memref<128xi32, #tpu.memory_space<vmem>>
    %dma_start3A_84 = arith.constant 0 : i32
    %dma_start3A_85 = arith.constant 0 : i32
    %dma_start3A_86 = tpu.memref_slice %arg3[%dma_start3A_84, %dma_start3A_85] : memref<1000000x64xf32, #tpu.memory_space<hbm>> -> memref<1000000x64xf32, #tpu.memory_space<hbm>>
    tpu.enqueue_indirect_dma source(%dma_start3A_86 : memref<1000000x64xf32, #tpu.memory_space<hbm>>) target(%dma_start3A_81 : memref<128x64xf32, #tpu.memory_space<vmem>>) offsets(%dma_start3A_83 : memref<128xi32, #tpu.memory_space<vmem>>) semaphore(%arg9 : memref<!tpu.dma_semaphore, #tpu.memory_space<semaphore_mem>>)
    %dma_start3A_87 = arith.constant 2 : i32
    %dma_start3A_88 = arith.constant 128 : i32
    %dma_start3A_89 = arith.constant 0 : i32
    %dma_start3A_90 = tpu.memref_slice %arg6[%dma_start3A_87, %dma_start3A_88, %dma_start3A_89] : memref<4x200x64xf32, #tpu.memory_space<vmem>> -> memref<1x72x64xf32, #tpu.memory_space<vmem>>
    %dma_start3A_91 = tpu.memref_squeeze %dma_start3A_90 : memref<1x72x64xf32, #tpu.memory_space<vmem>> -> memref<72x64xf32, #tpu.memory_space<vmem>>
    %dma_start3A_92 = arith.constant 528 : i32
    %dma_start3A_93 = tpu.memref_slice %arg5[%dma_start3A_92] : memref<25600xi32, #tpu.memory_space<vmem>> -> memref<72xi32, #tpu.memory_space<vmem>>
    %dma_start3A_94 = arith.constant 0 : i32
    %dma_start3A_95 = arith.constant 0 : i32
    %dma_start3A_96 = tpu.memref_slice %arg3[%dma_start3A_94, %dma_start3A_95] : memref<1000000x64xf32, #tpu.memory_space<hbm>> -> memref<1000000x64xf32, #tpu.memory_space<hbm>>
    tpu.enqueue_indirect_dma source(%dma_start3A_96 : memref<1000000x64xf32, #tpu.memory_space<hbm>>) target(%dma_start3A_91 : memref<72x64xf32, #tpu.memory_space<vmem>>) offsets(%dma_start3A_93 : memref<72xi32, #tpu.memory_space<vmem>>) semaphore(%arg9 : memref<!tpu.dma_semaphore, #tpu.memory_space<semaphore_mem>>)
    %dma_wait3A_97 = arith.constant 1 : i32
    %dma_wait3A_98 = arith.constant 0 : i32
    %dma_wait3A_99 = arith.constant 0 : i32
    %dma_wait3A_100 = tpu.memref_slice %arg6[%dma_wait3A_97, %dma_wait3A_98, %dma_wait3A_99] : memref<4x200x64xf32, #tpu.memory_space<vmem>> -> memref<1x200x64xf32, #tpu.memory_space<vmem>>
    %dma_wait3A_101 = tpu.memref_squeeze %dma_wait3A_100 : memref<1x200x64xf32, #tpu.memory_space<vmem>> -> memref<200x64xf32, #tpu.memory_space<vmem>>
    %dma_wait3A_102 = arith.constant 0 : i32
    %dma_wait3A_103 = arith.constant 0 : i32
    %dma_wait3A_104 = tpu.memref_slice %arg3[%dma_wait3A_102, %dma_wait3A_103] : memref<1000000x64xf32, #tpu.memory_space<hbm>> -> memref<200x64xf32, #tpu.memory_space<hbm>>
    %dma_wait3A_105 = arith.constant 0 : i32
    %dma_wait3A_106 = arith.constant 0 : i32
    %dma_wait3A_107 = tpu.memref_slice %arg6[%dma_wait3A_97, %dma_wait3A_105, %dma_wait3A_106] : memref<4x200x64xf32, #tpu.memory_space<vmem>> -> memref<1x200x64xf32, #tpu.memory_space<vmem>>
    %dma_wait3A_108 = tpu.memref_squeeze %dma_wait3A_107 : memref<1x200x64xf32, #tpu.memory_space<vmem>> -> memref<200x64xf32, #tpu.memory_space<vmem>>
    %dma_wait3A_109 = arith.constant 0 : i32
    %dma_wait3A_110 = arith.constant 0 : i32
    %dma_wait3A_111 = tpu.memref_slice %arg3[%dma_wait3A_109, %dma_wait3A_110] : memref<1000000x64xf32, #tpu.memory_space<hbm>> -> memref<200x64xf32, #tpu.memory_space<hbm>>
    tpu.wait_dma2 semaphore(%arg8 : memref<!tpu.dma_semaphore, #tpu.memory_space<semaphore_mem>>) src(%dma_wait3A_111 : memref<200x64xf32, #tpu.memory_space<hbm>>) dst(%dma_wait3A_108 : memref<200x64xf32, #tpu.memory_space<vmem>>)
    %add3A_112 = arith.constant 1 : i32
    %add3A_113 = arith.addi %mul3A_2, %add3A_112 : i32
    %dma_start3A_114 = arith.constant 1 : i32
    %dma_start3A_115 = arith.constant 0 : i32
    %dma_start3A_116 = arith.constant 0 : i32
    %dma_start3A_117 = tpu.memref_slice %arg6[%dma_start3A_114, %dma_start3A_115, %dma_start3A_116] : memref<4x200x64xf32, #tpu.memory_space<vmem>> -> memref<1x200x64xf32, #tpu.memory_space<vmem>>
    %dma_start3A_118 = tpu.memref_squeeze %dma_start3A_117 : memref<1x200x64xf32, #tpu.memory_space<vmem>> -> memref<200x64xf32, #tpu.memory_space<vmem>>
    %dma_start3A_119 = arith.constant 0 : i32
    %dma_start3A_120 = arith.constant 0 : i32
    %dma_start3A_121 = tpu.memref_slice %arg4[%add3A_113, %dma_start3A_119, %dma_start3A_120] : memref<4096x200x128xf32, #tpu.memory_space<hbm>> -> memref<1x200x64xf32, #tpu.memory_space<hbm>>
    %dma_start3A_122 = tpu.memref_squeeze %dma_start3A_121 : memref<1x200x64xf32, #tpu.memory_space<hbm>> -> memref<200x64xf32, #tpu.memory_space<hbm>>
    %dma_start3A_123 = arith.constant 0 : i32
    %dma_start3A_124 = arith.constant 0 : i32
    %dma_start3A_125 = tpu.memref_slice %arg4[%add3A_113, %dma_start3A_123, %dma_start3A_124] : memref<4096x200x128xf32, #tpu.memory_space<hbm>> -> memref<1x200x64xf32, #tpu.memory_space<hbm>>
    %dma_start3A_126 = tpu.memref_squeeze %dma_start3A_125 : memref<1x200x64xf32, #tpu.memory_space<hbm>> -> memref<200x64xf32, #tpu.memory_space<hbm>>
    %dma_start3A_127 = arith.constant 0 : i32
    %dma_start3A_128 = arith.constant 0 : i32
    %dma_start3A_129 = tpu.memref_slice %arg6[%dma_start3A_114, %dma_start3A_127, %dma_start3A_128] : memref<4x200x64xf32, #tpu.memory_space<vmem>> -> memref<1x200x64xf32, #tpu.memory_space<vmem>>
    %dma_start3A_130 = tpu.memref_squeeze %dma_start3A_129 : memref<1x200x64xf32, #tpu.memory_space<vmem>> -> memref<200x64xf32, #tpu.memory_space<vmem>>
    tpu.enqueue_dma source(%dma_start3A_130 : memref<200x64xf32, #tpu.memory_space<vmem>>) target(%dma_start3A_126 : memref<200x64xf32, #tpu.memory_space<hbm>>) target_semaphore(%arg12 : memref<!tpu.dma_semaphore, #tpu.memory_space<semaphore_mem>>)
    %dma_start3A_131 = arith.constant 3 : i32
    %dma_start3A_132 = arith.constant 0 : i32
    %dma_start3A_133 = arith.constant 0 : i32
    %dma_start3A_134 = tpu.memref_slice %arg6[%dma_start3A_131, %dma_start3A_132, %dma_start3A_133] : memref<4x200x64xf32, #tpu.memory_space<vmem>> -> memref<1x128x64xf32, #tpu.memory_space<vmem>>
    %dma_start3A_135 = tpu.memref_squeeze %dma_start3A_134 : memref<1x128x64xf32, #tpu.memory_space<vmem>> -> memref<128x64xf32, #tpu.memory_space<vmem>>
    %dma_start3A_136 = arith.constant 600 : i32
    %dma_start3A_137 = tpu.memref_slice %arg5[%dma_start3A_136] : memref<25600xi32, #tpu.memory_space<vmem>> -> memref<128xi32, #tpu.memory_space<vmem>>
    %dma_start3A_138 = arith.constant 0 : i32
    %dma_start3A_139 = arith.constant 0 : i32
    %dma_start3A_140 = tpu.memref_slice %arg3[%dma_start3A_138, %dma_start3A_139] : memref<1000000x64xf32, #tpu.memory_space<hbm>> -> memref<1000000x64xf32, #tpu.memory_space<hbm>>
    tpu.enqueue_indirect_dma source(%dma_start3A_140 : memref<1000000x64xf32, #tpu.memory_space<hbm>>) target(%dma_start3A_135 : memref<128x64xf32, #tpu.memory_space<vmem>>) offsets(%dma_start3A_137 : memref<128xi32, #tpu.memory_space<vmem>>) semaphore(%arg10 : memref<!tpu.dma_semaphore, #tpu.memory_space<semaphore_mem>>)
    %dma_start3A_141 = arith.constant 3 : i32
    %dma_start3A_142 = arith.constant 128 : i32
    %dma_start3A_143 = arith.constant 0 : i32
    %dma_start3A_144 = tpu.memref_slice %arg6[%dma_start3A_141, %dma_start3A_142, %dma_start3A_143] : memref<4x200x64xf32, #tpu.memory_space<vmem>> -> memref<1x72x64xf32, #tpu.memory_space<vmem>>
    %dma_start3A_145 = tpu.memref_squeeze %dma_start3A_144 : memref<1x72x64xf32, #tpu.memory_space<vmem>> -> memref<72x64xf32, #tpu.memory_space<vmem>>
    %dma_start3A_146 = arith.constant 728 : i32
    %dma_start3A_147 = tpu.memref_slice %arg5[%dma_start3A_146] : memref<25600xi32, #tpu.memory_space<vmem>> -> memref<72xi32, #tpu.memory_space<vmem>>
    %dma_start3A_148 = arith.constant 0 : i32
    %dma_start3A_149 = arith.constant 0 : i32
    %dma_start3A_150 = tpu.memref_slice %arg3[%dma_start3A_148, %dma_start3A_149] : memref<1000000x64xf32, #tpu.memory_space<hbm>> -> memref<1000000x64xf32, #tpu.memory_space<hbm>>
    tpu.enqueue_indirect_dma source(%dma_start3A_150 : memref<1000000x64xf32, #tpu.memory_space<hbm>>) target(%dma_start3A_145 : memref<72x64xf32, #tpu.memory_space<vmem>>) offsets(%dma_start3A_147 : memref<72xi32, #tpu.memory_space<vmem>>) semaphore(%arg10 : memref<!tpu.dma_semaphore, #tpu.memory_space<semaphore_mem>>)
    %dma_wait3A_151 = arith.constant 2 : i32
    %dma_wait3A_152 = arith.constant 0 : i32
    %dma_wait3A_153 = arith.constant 0 : i32
    %dma_wait3A_154 = tpu.memref_slice %arg6[%dma_wait3A_151, %dma_wait3A_152, %dma_wait3A_153] : memref<4x200x64xf32, #tpu.memory_space<vmem>> -> memref<1x200x64xf32, #tpu.memory_space<vmem>>
    %dma_wait3A_155 = tpu.memref_squeeze %dma_wait3A_154 : memref<1x200x64xf32, #tpu.memory_space<vmem>> -> memref<200x64xf32, #tpu.memory_space<vmem>>
    %dma_wait3A_156 = arith.constant 0 : i32
    %dma_wait3A_157 = arith.constant 0 : i32
    %dma_wait3A_158 = tpu.memref_slice %arg3[%dma_wait3A_156, %dma_wait3A_157] : memref<1000000x64xf32, #tpu.memory_space<hbm>> -> memref<200x64xf32, #tpu.memory_space<hbm>>
    %dma_wait3A_159 = arith.constant 0 : i32
    %dma_wait3A_160 = arith.constant 0 : i32
    %dma_wait3A_161 = tpu.memref_slice %arg6[%dma_wait3A_151, %dma_wait3A_159, %dma_wait3A_160] : memref<4x200x64xf32, #tpu.memory_space<vmem>> -> memref<1x200x64xf32, #tpu.memory_space<vmem>>
    %dma_wait3A_162 = tpu.memref_squeeze %dma_wait3A_161 : memref<1x200x64xf32, #tpu.memory_space<vmem>> -> memref<200x64xf32, #tpu.memory_space<vmem>>
    %dma_wait3A_163 = arith.constant 0 : i32
    %dma_wait3A_164 = arith.constant 0 : i32
    %dma_wait3A_165 = tpu.memref_slice %arg3[%dma_wait3A_163, %dma_wait3A_164] : memref<1000000x64xf32, #tpu.memory_space<hbm>> -> memref<200x64xf32, #tpu.memory_space<hbm>>
    tpu.wait_dma2 semaphore(%arg9 : memref<!tpu.dma_semaphore, #tpu.memory_space<semaphore_mem>>) src(%dma_wait3A_165 : memref<200x64xf32, #tpu.memory_space<hbm>>) dst(%dma_wait3A_162 : memref<200x64xf32, #tpu.memory_space<vmem>>)
    %add3A_166 = arith.constant 2 : i32
    %add3A_167 = arith.addi %mul3A_2, %add3A_166 : i32
    %dma_start3A_168 = arith.constant 2 : i32
    %dma_start3A_169 = arith.constant 0 : i32
    %dma_start3A_170 = arith.constant 0 : i32
    %dma_start3A_171 = tpu.memref_slice %arg6[%dma_start3A_168, %dma_start3A_169, %dma_start3A_170] : memref<4x200x64xf32, #tpu.memory_space<vmem>> -> memref<1x200x64xf32, #tpu.memory_space<vmem>>
    %dma_start3A_172 = tpu.memref_squeeze %dma_start3A_171 : memref<1x200x64xf32, #tpu.memory_space<vmem>> -> memref<200x64xf32, #tpu.memory_space<vmem>>
    %dma_start3A_173 = arith.constant 0 : i32
    %dma_start3A_174 = arith.constant 0 : i32
    %dma_start3A_175 = tpu.memref_slice %arg4[%add3A_167, %dma_start3A_173, %dma_start3A_174] : memref<4096x200x128xf32, #tpu.memory_space<hbm>> -> memref<1x200x64xf32, #tpu.memory_space<hbm>>
    %dma_start3A_176 = tpu.memref_squeeze %dma_start3A_175 : memref<1x200x64xf32, #tpu.memory_space<hbm>> -> memref<200x64xf32, #tpu.memory_space<hbm>>
    %dma_start3A_177 = arith.constant 0 : i32
    %dma_start3A_178 = arith.constant 0 : i32
    %dma_start3A_179 = tpu.memref_slice %arg4[%add3A_167, %dma_start3A_177, %dma_start3A_178] : memref<4096x200x128xf32, #tpu.memory_space<hbm>> -> memref<1x200x64xf32, #tpu.memory_space<hbm>>
    %dma_start3A_180 = tpu.memref_squeeze %dma_start3A_179 : memref<1x200x64xf32, #tpu.memory_space<hbm>> -> memref<200x64xf32, #tpu.memory_space<hbm>>
    %dma_start3A_181 = arith.constant 0 : i32
    %dma_start3A_182 = arith.constant 0 : i32
    %dma_start3A_183 = tpu.memref_slice %arg6[%dma_start3A_168, %dma_start3A_181, %dma_start3A_182] : memref<4x200x64xf32, #tpu.memory_space<vmem>> -> memref<1x200x64xf32, #tpu.memory_space<vmem>>
    %dma_start3A_184 = tpu.memref_squeeze %dma_start3A_183 : memref<1x200x64xf32, #tpu.memory_space<vmem>> -> memref<200x64xf32, #tpu.memory_space<vmem>>
    tpu.enqueue_dma source(%dma_start3A_184 : memref<200x64xf32, #tpu.memory_space<vmem>>) target(%dma_start3A_180 : memref<200x64xf32, #tpu.memory_space<hbm>>) target_semaphore(%arg13 : memref<!tpu.dma_semaphore, #tpu.memory_space<semaphore_mem>>)
    %add3A_185 = arith.constant 0 : i32
    %add3A_186 = arith.addi %mul3A_2, %add3A_185 : i32
    %dma_wait3A_187 = arith.constant 0 : i32
    %dma_wait3A_188 = arith.constant 0 : i32
    %dma_wait3A_189 = arith.constant 0 : i32
    %dma_wait3A_190 = tpu.memref_slice %arg6[%dma_wait3A_187, %dma_wait3A_188, %dma_wait3A_189] : memref<4x200x64xf32, #tpu.memory_space<vmem>> -> memref<1x200x64xf32, #tpu.memory_space<vmem>>
    %dma_wait3A_191 = tpu.memref_squeeze %dma_wait3A_190 : memref<1x200x64xf32, #tpu.memory_space<vmem>> -> memref<200x64xf32, #tpu.memory_space<vmem>>
    %dma_wait3A_192 = arith.constant 0 : i32
    %dma_wait3A_193 = arith.constant 0 : i32
    %dma_wait3A_194 = tpu.memref_slice %arg4[%add3A_186, %dma_wait3A_192, %dma_wait3A_193] : memref<4096x200x128xf32, #tpu.memory_space<hbm>> -> memref<1x200x64xf32, #tpu.memory_space<hbm>>
    %dma_wait3A_195 = tpu.memref_squeeze %dma_wait3A_194 : memref<1x200x64xf32, #tpu.memory_space<hbm>> -> memref<200x64xf32, #tpu.memory_space<hbm>>
    %dma_wait3A_196 = arith.constant 0 : i32
    %dma_wait3A_197 = arith.constant 0 : i32
    %dma_wait3A_198 = tpu.memref_slice %arg4[%add3A_186, %dma_wait3A_196, %dma_wait3A_197] : memref<4096x200x128xf32, #tpu.memory_space<hbm>> -> memref<1x200x64xf32, #tpu.memory_space<hbm>>
    %dma_wait3A_199 = tpu.memref_squeeze %dma_wait3A_198 : memref<1x200x64xf32, #tpu.memory_space<hbm>> -> memref<200x64xf32, #tpu.memory_space<hbm>>
    %dma_wait3A_200 = arith.constant 0 : i32
    %dma_wait3A_201 = arith.constant 0 : i32
    %dma_wait3A_202 = tpu.memref_slice %arg6[%dma_wait3A_187, %dma_wait3A_200, %dma_wait3A_201] : memref<4x200x64xf32, #tpu.memory_space<vmem>> -> memref<1x200x64xf32, #tpu.memory_space<vmem>>
    %dma_wait3A_203 = tpu.memref_squeeze %dma_wait3A_202 : memref<1x200x64xf32, #tpu.memory_space<vmem>> -> memref<200x64xf32, #tpu.memory_space<vmem>>
    tpu.wait_dma2 semaphore(%arg11 : memref<!tpu.dma_semaphore, #tpu.memory_space<semaphore_mem>>) src(%dma_wait3A_203 : memref<200x64xf32, #tpu.memory_space<vmem>>) dst(%dma_wait3A_199 : memref<200x64xf32, #tpu.memory_space<hbm>>)
    %dma_start3A_204 = arith.constant 0 : i32
    %dma_start3A_205 = arith.constant 0 : i32
    %dma_start3A_206 = arith.constant 0 : i32
    %dma_start3A_207 = tpu.memref_slice %arg6[%dma_start3A_204, %dma_start3A_205, %dma_start3A_206] : memref<4x200x64xf32, #tpu.memory_space<vmem>> -> memref<1x128x64xf32, #tpu.memory_space<vmem>>
    %dma_start3A_208 = tpu.memref_squeeze %dma_start3A_207 : memref<1x128x64xf32, #tpu.memory_space<vmem>> -> memref<128x64xf32, #tpu.memory_space<vmem>>
    %dma_start3A_209 = arith.constant 800 : i32
    %dma_start3A_210 = tpu.memref_slice %arg5[%dma_start3A_209] : memref<25600xi32, #tpu.memory_space<vmem>> -> memref<128xi32, #tpu.memory_space<vmem>>
    %dma_start3A_211 = arith.constant 0 : i32
    %dma_start3A_212 = arith.constant 0 : i32
    %dma_start3A_213 = tpu.memref_slice %arg3[%dma_start3A_211, %dma_start3A_212] : memref<1000000x64xf32, #tpu.memory_space<hbm>> -> memref<1000000x64xf32, #tpu.memory_space<hbm>>
    tpu.enqueue_indirect_dma source(%dma_start3A_213 : memref<1000000x64xf32, #tpu.memory_space<hbm>>) target(%dma_start3A_208 : memref<128x64xf32, #tpu.memory_space<vmem>>) offsets(%dma_start3A_210 : memref<128xi32, #tpu.memory_space<vmem>>) semaphore(%arg7 : memref<!tpu.dma_semaphore, #tpu.memory_space<semaphore_mem>>)
    %dma_start3A_214 = arith.constant 0 : i32
    %dma_start3A_215 = arith.constant 128 : i32
    %dma_start3A_216 = arith.constant 0 : i32
    %dma_start3A_217 = tpu.memref_slice %arg6[%dma_start3A_214, %dma_start3A_215, %dma_start3A_216] : memref<4x200x64xf32, #tpu.memory_space<vmem>> -> memref<1x72x64xf32, #tpu.memory_space<vmem>>
    %dma_start3A_218 = tpu.memref_squeeze %dma_start3A_217 : memref<1x72x64xf32, #tpu.memory_space<vmem>> -> memref<72x64xf32, #tpu.memory_space<vmem>>
    %dma_start3A_219 = arith.constant 928 : i32
    %dma_start3A_220 = tpu.memref_slice %arg5[%dma_start3A_219] : memref<25600xi32, #tpu.memory_space<vmem>> -> memref<72xi32, #tpu.memory_space<vmem>>
    %dma_start3A_221 = arith.constant 0 : i32
    %dma_start3A_222 = arith.constant 0 : i32
    %dma_start3A_223 = tpu.memref_slice %arg3[%dma_start3A_221, %dma_start3A_222] : memref<1000000x64xf32, #tpu.memory_space<hbm>> -> memref<1000000x64xf32, #tpu.memory_space<hbm>>
    tpu.enqueue_indirect_dma source(%dma_start3A_223 : memref<1000000x64xf32, #tpu.memory_space<hbm>>) target(%dma_start3A_218 : memref<72x64xf32, #tpu.memory_space<vmem>>) offsets(%dma_start3A_220 : memref<72xi32, #tpu.memory_space<vmem>>) semaphore(%arg7 : memref<!tpu.dma_semaphore, #tpu.memory_space<semaphore_mem>>)
    %dma_wait3A_224 = arith.constant 3 : i32
    %dma_wait3A_225 = arith.constant 0 : i32
    %dma_wait3A_226 = arith.constant 0 : i32
    %dma_wait3A_227 = tpu.memref_slice %arg6[%dma_wait3A_224, %dma_wait3A_225, %dma_wait3A_226] : memref<4x200x64xf32, #tpu.memory_space<vmem>> -> memref<1x200x64xf32, #tpu.memory_space<vmem>>
    %dma_wait3A_228 = tpu.memref_squeeze %dma_wait3A_227 : memref<1x200x64xf32, #tpu.memory_space<vmem>> -> memref<200x64xf32, #tpu.memory_space<vmem>>
    %dma_wait3A_229 = arith.constant 0 : i32
    %dma_wait3A_230 = arith.constant 0 : i32
    %dma_wait3A_231 = tpu.memref_slice %arg3[%dma_wait3A_229, %dma_wait3A_230] : memref<1000000x64xf32, #tpu.memory_space<hbm>> -> memref<200x64xf32, #tpu.memory_space<hbm>>
    %dma_wait3A_232 = arith.constant 0 : i32
    %dma_wait3A_233 = arith.constant 0 : i32
    %dma_wait3A_234 = tpu.memref_slice %arg6[%dma_wait3A_224, %dma_wait3A_232, %dma_wait3A_233] : memref<4x200x64xf32, #tpu.memory_space<vmem>> -> memref<1x200x64xf32, #tpu.memory_space<vmem>>
    %dma_wait3A_235 = tpu.memref_squeeze %dma_wait3A_234 : memref<1x200x64xf32, #tpu.memory_space<vmem>> -> memref<200x64xf32, #tpu.memory_space<vmem>>
    %dma_wait3A_236 = arith.constant 0 : i32
    %dma_wait3A_237 = arith.constant 0 : i32
    %dma_wait3A_238 = tpu.memref_slice %arg3[%dma_wait3A_236, %dma_wait3A_237] : memref<1000000x64xf32, #tpu.memory_space<hbm>> -> memref<200x64xf32, #tpu.memory_space<hbm>>
    tpu.wait_dma2 semaphore(%arg10 : memref<!tpu.dma_semaphore, #tpu.memory_space<semaphore_mem>>) src(%dma_wait3A_238 : memref<200x64xf32, #tpu.memory_space<hbm>>) dst(%dma_wait3A_235 : memref<200x64xf32, #tpu.memory_space<vmem>>)
    %add3A_239 = arith.constant 3 : i32
    %add3A_240 = arith.addi %mul3A_2, %add3A_239 : i32
    %dma_start3A_241 = arith.constant 3 : i32
    %dma_start3A_242 = arith.constant 0 : i32
    %dma_start3A_243 = arith.constant 0 : i32
    %dma_start3A_244 = tpu.memref_slice %arg6[%dma_start3A_241, %dma_start3A_242, %dma_start3A_243] : memref<4x200x64xf32, #tpu.memory_space<vmem>> -> memref<1x200x64xf32, #tpu.memory_space<vmem>>
    %dma_start3A_245 = tpu.memref_squeeze %dma_start3A_244 : memref<1x200x64xf32, #tpu.memory_space<vmem>> -> memref<200x64xf32, #tpu.memory_space<vmem>>
    %dma_start3A_246 = arith.constant 0 : i32
    %dma_start3A_247 = arith.constant 0 : i32
    %dma_start3A_248 = tpu.memref_slice %arg4[%add3A_240, %dma_start3A_246, %dma_start3A_247] : memref<4096x200x128xf32, #tpu.memory_space<hbm>> -> memref<1x200x64xf32, #tpu.memory_space<hbm>>
    %dma_start3A_249 = tpu.memref_squeeze %dma_start3A_248 : memref<1x200x64xf32, #tpu.memory_space<hbm>> -> memref<200x64xf32, #tpu.memory_space<hbm>>
    %dma_start3A_250 = arith.constant 0 : i32
    %dma_start3A_251 = arith.constant 0 : i32
    %dma_start3A_252 = tpu.memref_slice %arg4[%add3A_240, %dma_start3A_250, %dma_start3A_251] : memref<4096x200x128xf32, #tpu.memory_space<hbm>> -> memref<1x200x64xf32, #tpu.memory_space<hbm>>
    %dma_start3A_253 = tpu.memref_squeeze %dma_start3A_252 : memref<1x200x64xf32, #tpu.memory_space<hbm>> -> memref<200x64xf32, #tpu.memory_space<hbm>>
    %dma_start3A_254 = arith.constant 0 : i32
    %dma_start3A_255 = arith.constant 0 : i32
    %dma_start3A_256 = tpu.memref_slice %arg6[%dma_start3A_241, %dma_start3A_254, %dma_start3A_255] : memref<4x200x64xf32, #tpu.memory_space<vmem>> -> memref<1x200x64xf32, #tpu.memory_space<vmem>>
    %dma_start3A_257 = tpu.memref_squeeze %dma_start3A_256 : memref<1x200x64xf32, #tpu.memory_space<vmem>> -> memref<200x64xf32, #tpu.memory_space<vmem>>
    tpu.enqueue_dma source(%dma_start3A_257 : memref<200x64xf32, #tpu.memory_space<vmem>>) target(%dma_start3A_253 : memref<200x64xf32, #tpu.memory_space<hbm>>) target_semaphore(%arg14 : memref<!tpu.dma_semaphore, #tpu.memory_space<semaphore_mem>>)
    %add3A_258 = arith.constant 1 : i32
    %add3A_259 = arith.addi %mul3A_2, %add3A_258 : i32
    %dma_wait3A_260 = arith.constant 1 : i32
    %dma_wait3A_261 = arith.constant 0 : i32
    %dma_wait3A_262 = arith.constant 0 : i32
    %dma_wait3A_263 = tpu.memref_slice %arg6[%dma_wait3A_260, %dma_wait3A_261, %dma_wait3A_262] : memref<4x200x64xf32, #tpu.memory_space<vmem>> -> memref<1x200x64xf32, #tpu.memory_space<vmem>>
    %dma_wait3A_264 = tpu.memref_squeeze %dma_wait3A_263 : memref<1x200x64xf32, #tpu.memory_space<vmem>> -> memref<200x64xf32, #tpu.memory_space<vmem>>
    %dma_wait3A_265 = arith.constant 0 : i32
    %dma_wait3A_266 = arith.constant 0 : i32
    %dma_wait3A_267 = tpu.memref_slice %arg4[%add3A_259, %dma_wait3A_265, %dma_wait3A_266] : memref<4096x200x128xf32, #tpu.memory_space<hbm>> -> memref<1x200x64xf32, #tpu.memory_space<hbm>>
    %dma_wait3A_268 = tpu.memref_squeeze %dma_wait3A_267 : memref<1x200x64xf32, #tpu.memory_space<hbm>> -> memref<200x64xf32, #tpu.memory_space<hbm>>
    %dma_wait3A_269 = arith.constant 0 : i32
    %dma_wait3A_270 = arith.constant 0 : i32
    %dma_wait3A_271 = tpu.memref_slice %arg4[%add3A_259, %dma_wait3A_269, %dma_wait3A_270] : memref<4096x200x128xf32, #tpu.memory_space<hbm>> -> memref<1x200x64xf32, #tpu.memory_space<hbm>>
    %dma_wait3A_272 = tpu.memref_squeeze %dma_wait3A_271 : memref<1x200x64xf32, #tpu.memory_space<hbm>> -> memref<200x64xf32, #tpu.memory_space<hbm>>
    %dma_wait3A_273 = arith.constant 0 : i32
    %dma_wait3A_274 = arith.constant 0 : i32
    %dma_wait3A_275 = tpu.memref_slice %arg6[%dma_wait3A_260, %dma_wait3A_273, %dma_wait3A_274] : memref<4x200x64xf32, #tpu.memory_space<vmem>> -> memref<1x200x64xf32, #tpu.memory_space<vmem>>
    %dma_wait3A_276 = tpu.memref_squeeze %dma_wait3A_275 : memref<1x200x64xf32, #tpu.memory_space<vmem>> -> memref<200x64xf32, #tpu.memory_space<vmem>>
    tpu.wait_dma2 semaphore(%arg12 : memref<!tpu.dma_semaphore, #tpu.memory_space<semaphore_mem>>) src(%dma_wait3A_276 : memref<200x64xf32, #tpu.memory_space<vmem>>) dst(%dma_wait3A_272 : memref<200x64xf32, #tpu.memory_space<hbm>>)
    %dma_start3A_277 = arith.constant 1 : i32
    %dma_start3A_278 = arith.constant 0 : i32
    %dma_start3A_279 = arith.constant 0 : i32
    %dma_start3A_280 = tpu.memref_slice %arg6[%dma_start3A_277, %dma_start3A_278, %dma_start3A_279] : memref<4x200x64xf32, #tpu.memory_space<vmem>> -> memref<1x128x64xf32, #tpu.memory_space<vmem>>
    %dma_start3A_281 = tpu.memref_squeeze %dma_start3A_280 : memref<1x128x64xf32, #tpu.memory_space<vmem>> -> memref<128x64xf32, #tpu.memory_space<vmem>>
    %dma_start3A_282 = arith.constant 1000 : i32
    %dma_start3A_283 = tpu.memref_slice %arg5[%dma_start3A_282] : memref<25600xi32, #tpu.memory_space<vmem>> -> memref<128xi32, #tpu.memory_space<vmem>>
    %dma_start3A_284 = arith.constant 0 : i32
    %dma_start3A_285 = arith.constant 0 : i32
    %dma_start3A_286 = tpu.memref_slice %arg3[%dma_start3A_284, %dma_start3A_285] : memref<1000000x64xf32, #tpu.memory_space<hbm>> -> memref<1000000x64xf32, #tpu.memory_space<hbm>>
    tpu.enqueue_indirect_dma source(%dma_start3A_286 : memref<1000000x64xf32, #tpu.memory_space<hbm>>) target(%dma_start3A_281 : memref<128x64xf32, #tpu.memory_space<vmem>>) offsets(%dma_start3A_283 : memref<128xi32, #tpu.memory_space<vmem>>) semaphore(%arg8 : memref<!tpu.dma_semaphore, #tpu.memory_space<semaphore_mem>>)
    %dma_start3A_287 = arith.constant 1 : i32
    %dma_start3A_288 = arith.constant 128 : i32
    %dma_start3A_289 = arith.constant 0 : i32
    %dma_start3A_290 = tpu.memref_slice %arg6[%dma_start3A_287, %dma_start3A_288, %dma_start3A_289] : memref<4x200x64xf32, #tpu.memory_space<vmem>> -> memref<1x72x64xf32, #tpu.memory_space<vmem>>
    %dma_start3A_291 = tpu.memref_squeeze %dma_start3A_290 : memref<1x72x64xf32, #tpu.memory_space<vmem>> -> memref<72x64xf32, #tpu.memory_space<vmem>>
    %dma_start3A_292 = arith.constant 1128 : i32
    %dma_start3A_293 = tpu.memref_slice %arg5[%dma_start3A_292] : memref<25600xi32, #tpu.memory_space<vmem>> -> memref<72xi32, #tpu.memory_space<vmem>>
    %dma_start3A_294 = arith.constant 0 : i32
    %dma_start3A_295 = arith.constant 0 : i32
    %dma_start3A_296 = tpu.memref_slice %arg3[%dma_start3A_294, %dma_start3A_295] : memref<1000000x64xf32, #tpu.memory_space<hbm>> -> memref<1000000x64xf32, #tpu.memory_space<hbm>>
    tpu.enqueue_indirect_dma source(%dma_start3A_296 : memref<1000000x64xf32, #tpu.memory_space<hbm>>) target(%dma_start3A_291 : memref<72x64xf32, #tpu.memory_space<vmem>>) offsets(%dma_start3A_293 : memref<72xi32, #tpu.memory_space<vmem>>) semaphore(%arg8 : memref<!tpu.dma_semaphore, #tpu.memory_space<semaphore_mem>>)
    %scan3A = arith.constant 0 : i32
    %scan3A_297 = arith.constant 1 : i32
    %scan3A_298 = arith.constant 30 : i32
    %scan3A_299 = arith.addi %scan3A_297, %scan3A_298 : i32
    %scan3A_300 = arith.constant 1 : i32
    scf.for %scan3A_592 = %scan3A_297 to %scan3A_299 step %scan3A_300  : i32 {
      %mul3A_593 = arith.constant 4 : i32
      %mul3A_594 = arith.muli %scan3A_592, %mul3A_593 : i32
      %add3A_595 = arith.constant 0 : i32
      %add3A_596 = arith.addi %mul3A_594, %add3A_595 : i32
      %dma_wait3A_597 = arith.constant 0 : i32
      %dma_wait3A_598 = arith.constant 0 : i32
      %dma_wait3A_599 = arith.constant 0 : i32
      %dma_wait3A_600 = tpu.memref_slice %arg6[%dma_wait3A_597, %dma_wait3A_598, %dma_wait3A_599] : memref<4x200x64xf32, #tpu.memory_space<vmem>> -> memref<1x200x64xf32, #tpu.memory_space<vmem>>
      %dma_wait3A_601 = tpu.memref_squeeze %dma_wait3A_600 : memref<1x200x64xf32, #tpu.memory_space<vmem>> -> memref<200x64xf32, #tpu.memory_space<vmem>>
      %dma_wait3A_602 = arith.constant 0 : i32
      %dma_wait3A_603 = arith.constant 0 : i32
      %dma_wait3A_604 = tpu.memref_slice %arg3[%dma_wait3A_602, %dma_wait3A_603] : memref<1000000x64xf32, #tpu.memory_space<hbm>> -> memref<200x64xf32, #tpu.memory_space<hbm>>
      %dma_wait3A_605 = arith.constant 0 : i32
      %dma_wait3A_606 = arith.constant 0 : i32
      %dma_wait3A_607 = tpu.memref_slice %arg6[%dma_wait3A_597, %dma_wait3A_605, %dma_wait3A_606] : memref<4x200x64xf32, #tpu.memory_space<vmem>> -> memref<1x200x64xf32, #tpu.memory_space<vmem>>
      %dma_wait3A_608 = tpu.memref_squeeze %dma_wait3A_607 : memref<1x200x64xf32, #tpu.memory_space<vmem>> -> memref<200x64xf32, #tpu.memory_space<vmem>>
      %dma_wait3A_609 = arith.constant 0 : i32
      %dma_wait3A_610 = arith.constant 0 : i32
      %dma_wait3A_611 = tpu.memref_slice %arg3[%dma_wait3A_609, %dma_wait3A_610] : memref<1000000x64xf32, #tpu.memory_space<hbm>> -> memref<200x64xf32, #tpu.memory_space<hbm>>
      tpu.wait_dma2 semaphore(%arg7 : memref<!tpu.dma_semaphore, #tpu.memory_space<semaphore_mem>>) src(%dma_wait3A_611 : memref<200x64xf32, #tpu.memory_space<hbm>>) dst(%dma_wait3A_608 : memref<200x64xf32, #tpu.memory_space<vmem>>)
      %add3A_612 = arith.addi %mul3A_2, %add3A_596 : i32
      %dma_start3A_613 = arith.constant 0 : i32
      %dma_start3A_614 = arith.constant 0 : i32
      %dma_start3A_615 = arith.constant 0 : i32
      %dma_start3A_616 = tpu.memref_slice %arg6[%dma_start3A_613, %dma_start3A_614, %dma_start3A_615] : memref<4x200x64xf32, #tpu.memory_space<vmem>> -> memref<1x200x64xf32, #tpu.memory_space<vmem>>
      %dma_start3A_617 = tpu.memref_squeeze %dma_start3A_616 : memref<1x200x64xf32, #tpu.memory_space<vmem>> -> memref<200x64xf32, #tpu.memory_space<vmem>>
      %dma_start3A_618 = arith.constant 0 : i32
      %dma_start3A_619 = arith.constant 0 : i32
      %dma_start3A_620 = tpu.memref_slice %arg4[%add3A_612, %dma_start3A_618, %dma_start3A_619] : memref<4096x200x128xf32, #tpu.memory_space<hbm>> -> memref<1x200x64xf32, #tpu.memory_space<hbm>>
      %dma_start3A_621 = tpu.memref_squeeze %dma_start3A_620 : memref<1x200x64xf32, #tpu.memory_space<hbm>> -> memref<200x64xf32, #tpu.memory_space<hbm>>
      %dma_start3A_622 = arith.constant 0 : i32
      %dma_start3A_623 = arith.constant 0 : i32
      %dma_start3A_624 = tpu.memref_slice %arg4[%add3A_612, %dma_start3A_622, %dma_start3A_623] : memref<4096x200x128xf32, #tpu.memory_space<hbm>> -> memref<1x200x64xf32, #tpu.memory_space<hbm>>
      %dma_start3A_625 = tpu.memref_squeeze %dma_start3A_624 : memref<1x200x64xf32, #tpu.memory_space<hbm>> -> memref<200x64xf32, #tpu.memory_space<hbm>>
      %dma_start3A_626 = arith.constant 0 : i32
      %dma_start3A_627 = arith.constant 0 : i32
      %dma_start3A_628 = tpu.memref_slice %arg6[%dma_start3A_613, %dma_start3A_626, %dma_start3A_627] : memref<4x200x64xf32, #tpu.memory_space<vmem>> -> memref<1x200x64xf32, #tpu.memory_space<vmem>>
      %dma_start3A_629 = tpu.memref_squeeze %dma_start3A_628 : memref<1x200x64xf32, #tpu.memory_space<vmem>> -> memref<200x64xf32, #tpu.memory_space<vmem>>
      tpu.enqueue_dma source(%dma_start3A_629 : memref<200x64xf32, #tpu.memory_space<vmem>>) target(%dma_start3A_625 : memref<200x64xf32, #tpu.memory_space<hbm>>) target_semaphore(%arg11 : memref<!tpu.dma_semaphore, #tpu.memory_space<semaphore_mem>>)
      %add3A_630 = arith.constant 2 : i32
      %add3A_631 = arith.addi %add3A_596, %add3A_630 : i32
      %sub3A = arith.constant 4 : i32
      %sub3A_632 = arith.subi %add3A_631, %sub3A : i32
      %add3A_633 = arith.addi %mul3A_2, %sub3A_632 : i32
      %dma_wait3A_634 = arith.constant 2 : i32
      %dma_wait3A_635 = arith.constant 0 : i32
      %dma_wait3A_636 = arith.constant 0 : i32
      %dma_wait3A_637 = tpu.memref_slice %arg6[%dma_wait3A_634, %dma_wait3A_635, %dma_wait3A_636] : memref<4x200x64xf32, #tpu.memory_space<vmem>> -> memref<1x200x64xf32, #tpu.memory_space<vmem>>
      %dma_wait3A_638 = tpu.memref_squeeze %dma_wait3A_637 : memref<1x200x64xf32, #tpu.memory_space<vmem>> -> memref<200x64xf32, #tpu.memory_space<vmem>>
      %dma_wait3A_639 = arith.constant 0 : i32
      %dma_wait3A_640 = arith.constant 0 : i32
      %dma_wait3A_641 = tpu.memref_slice %arg4[%add3A_633, %dma_wait3A_639, %dma_wait3A_640] : memref<4096x200x128xf32, #tpu.memory_space<hbm>> -> memref<1x200x64xf32, #tpu.memory_space<hbm>>
      %dma_wait3A_642 = tpu.memref_squeeze %dma_wait3A_641 : memref<1x200x64xf32, #tpu.memory_space<hbm>> -> memref<200x64xf32, #tpu.memory_space<hbm>>
      %dma_wait3A_643 = arith.constant 0 : i32
      %dma_wait3A_644 = arith.constant 0 : i32
      %dma_wait3A_645 = tpu.memref_slice %arg4[%add3A_633, %dma_wait3A_643, %dma_wait3A_644] : memref<4096x200x128xf32, #tpu.memory_space<hbm>> -> memref<1x200x64xf32, #tpu.memory_space<hbm>>
      %dma_wait3A_646 = tpu.memref_squeeze %dma_wait3A_645 : memref<1x200x64xf32, #tpu.memory_space<hbm>> -> memref<200x64xf32, #tpu.memory_space<hbm>>
      %dma_wait3A_647 = arith.constant 0 : i32
      %dma_wait3A_648 = arith.constant 0 : i32
      %dma_wait3A_649 = tpu.memref_slice %arg6[%dma_wait3A_634, %dma_wait3A_647, %dma_wait3A_648] : memref<4x200x64xf32, #tpu.memory_space<vmem>> -> memref<1x200x64xf32, #tpu.memory_space<vmem>>
      %dma_wait3A_650 = tpu.memref_squeeze %dma_wait3A_649 : memref<1x200x64xf32, #tpu.memory_space<vmem>> -> memref<200x64xf32, #tpu.memory_space<vmem>>
      tpu.wait_dma2 semaphore(%arg13 : memref<!tpu.dma_semaphore, #tpu.memory_space<semaphore_mem>>) src(%dma_wait3A_650 : memref<200x64xf32, #tpu.memory_space<vmem>>) dst(%dma_wait3A_646 : memref<200x64xf32, #tpu.memory_space<hbm>>)
      %mul3A_651 = arith.constant 200 : i32
      %mul3A_652 = arith.muli %add3A_631, %mul3A_651 : i32
      %dma_start3A_653 = arith.constant 2 : i32
      %dma_start3A_654 = arith.constant 0 : i32
      %dma_start3A_655 = arith.constant 0 : i32
      %dma_start3A_656 = tpu.memref_slice %arg6[%dma_start3A_653, %dma_start3A_654, %dma_start3A_655] : memref<4x200x64xf32, #tpu.memory_space<vmem>> -> memref<1x128x64xf32, #tpu.memory_space<vmem>>
      %dma_start3A_657 = tpu.memref_squeeze %dma_start3A_656 : memref<1x128x64xf32, #tpu.memory_space<vmem>> -> memref<128x64xf32, #tpu.memory_space<vmem>>
      %dma_start3A_658 = tpu.memref_slice %arg5[%mul3A_652] : memref<25600xi32, #tpu.memory_space<vmem>> -> memref<128xi32, #tpu.memory_space<vmem>>
      %dma_start3A_659 = arith.constant 0 : i32
      %dma_start3A_660 = arith.constant 0 : i32
      %dma_start3A_661 = tpu.memref_slice %arg3[%dma_start3A_659, %dma_start3A_660] : memref<1000000x64xf32, #tpu.memory_space<hbm>> -> memref<1000000x64xf32, #tpu.memory_space<hbm>>
      tpu.enqueue_indirect_dma source(%dma_start3A_661 : memref<1000000x64xf32, #tpu.memory_space<hbm>>) target(%dma_start3A_657 : memref<128x64xf32, #tpu.memory_space<vmem>>) offsets(%dma_start3A_658 : memref<128xi32, #tpu.memory_space<vmem>>) semaphore(%arg9 : memref<!tpu.dma_semaphore, #tpu.memory_space<semaphore_mem>>)
      %mul3A_662 = arith.constant 200 : i32
      %mul3A_663 = arith.muli %add3A_631, %mul3A_662 : i32
      %add3A_664 = arith.constant 128 : i32
      %add3A_665 = arith.addi %mul3A_663, %add3A_664 : i32
      %dma_start3A_666 = arith.constant 2 : i32
      %dma_start3A_667 = arith.constant 128 : i32
      %dma_start3A_668 = arith.constant 0 : i32
      %dma_start3A_669 = tpu.memref_slice %arg6[%dma_start3A_666, %dma_start3A_667, %dma_start3A_668] : memref<4x200x64xf32, #tpu.memory_space<vmem>> -> memref<1x72x64xf32, #tpu.memory_space<vmem>>
      %dma_start3A_670 = tpu.memref_squeeze %dma_start3A_669 : memref<1x72x64xf32, #tpu.memory_space<vmem>> -> memref<72x64xf32, #tpu.memory_space<vmem>>
      %dma_start3A_671 = tpu.memref_slice %arg5[%add3A_665] : memref<25600xi32, #tpu.memory_space<vmem>> -> memref<72xi32, #tpu.memory_space<vmem>>
      %dma_start3A_672 = arith.constant 0 : i32
      %dma_start3A_673 = arith.constant 0 : i32
      %dma_start3A_674 = tpu.memref_slice %arg3[%dma_start3A_672, %dma_start3A_673] : memref<1000000x64xf32, #tpu.memory_space<hbm>> -> memref<1000000x64xf32, #tpu.memory_space<hbm>>
      tpu.enqueue_indirect_dma source(%dma_start3A_674 : memref<1000000x64xf32, #tpu.memory_space<hbm>>) target(%dma_start3A_670 : memref<72x64xf32, #tpu.memory_space<vmem>>) offsets(%dma_start3A_671 : memref<72xi32, #tpu.memory_space<vmem>>) semaphore(%arg9 : memref<!tpu.dma_semaphore, #tpu.memory_space<semaphore_mem>>)
      %add3A_675 = arith.constant 1 : i32
      %add3A_676 = arith.addi %mul3A_594, %add3A_675 : i32
      %dma_wait3A_677 = arith.constant 1 : i32
      %dma_wait3A_678 = arith.constant 0 : i32
      %dma_wait3A_679 = arith.constant 0 : i32
      %dma_wait3A_680 = tpu.memref_slice %arg6[%dma_wait3A_677, %dma_wait3A_678, %dma_wait3A_679] : memref<4x200x64xf32, #tpu.memory_space<vmem>> -> memref<1x200x64xf32, #tpu.memory_space<vmem>>
      %dma_wait3A_681 = tpu.memref_squeeze %dma_wait3A_680 : memref<1x200x64xf32, #tpu.memory_space<vmem>> -> memref<200x64xf32, #tpu.memory_space<vmem>>
      %dma_wait3A_682 = arith.constant 0 : i32
      %dma_wait3A_683 = arith.constant 0 : i32
      %dma_wait3A_684 = tpu.memref_slice %arg3[%dma_wait3A_682, %dma_wait3A_683] : memref<1000000x64xf32, #tpu.memory_space<hbm>> -> memref<200x64xf32, #tpu.memory_space<hbm>>
      %dma_wait3A_685 = arith.constant 0 : i32
      %dma_wait3A_686 = arith.constant 0 : i32
      %dma_wait3A_687 = tpu.memref_slice %arg6[%dma_wait3A_677, %dma_wait3A_685, %dma_wait3A_686] : memref<4x200x64xf32, #tpu.memory_space<vmem>> -> memref<1x200x64xf32, #tpu.memory_space<vmem>>
      %dma_wait3A_688 = tpu.memref_squeeze %dma_wait3A_687 : memref<1x200x64xf32, #tpu.memory_space<vmem>> -> memref<200x64xf32, #tpu.memory_space<vmem>>
      %dma_wait3A_689 = arith.constant 0 : i32
      %dma_wait3A_690 = arith.constant 0 : i32
      %dma_wait3A_691 = tpu.memref_slice %arg3[%dma_wait3A_689, %dma_wait3A_690] : memref<1000000x64xf32, #tpu.memory_space<hbm>> -> memref<200x64xf32, #tpu.memory_space<hbm>>
      tpu.wait_dma2 semaphore(%arg8 : memref<!tpu.dma_semaphore, #tpu.memory_space<semaphore_mem>>) src(%dma_wait3A_691 : memref<200x64xf32, #tpu.memory_space<hbm>>) dst(%dma_wait3A_688 : memref<200x64xf32, #tpu.memory_space<vmem>>)
      %add3A_692 = arith.addi %mul3A_2, %add3A_676 : i32
      %dma_start3A_693 = arith.constant 1 : i32
      %dma_start3A_694 = arith.constant 0 : i32
      %dma_start3A_695 = arith.constant 0 : i32
      %dma_start3A_696 = tpu.memref_slice %arg6[%dma_start3A_693, %dma_start3A_694, %dma_start3A_695] : memref<4x200x64xf32, #tpu.memory_space<vmem>> -> memref<1x200x64xf32, #tpu.memory_space<vmem>>
      %dma_start3A_697 = tpu.memref_squeeze %dma_start3A_696 : memref<1x200x64xf32, #tpu.memory_space<vmem>> -> memref<200x64xf32, #tpu.memory_space<vmem>>
      %dma_start3A_698 = arith.constant 0 : i32
      %dma_start3A_699 = arith.constant 0 : i32
      %dma_start3A_700 = tpu.memref_slice %arg4[%add3A_692, %dma_start3A_698, %dma_start3A_699] : memref<4096x200x128xf32, #tpu.memory_space<hbm>> -> memref<1x200x64xf32, #tpu.memory_space<hbm>>
      %dma_start3A_701 = tpu.memref_squeeze %dma_start3A_700 : memref<1x200x64xf32, #tpu.memory_space<hbm>> -> memref<200x64xf32, #tpu.memory_space<hbm>>
      %dma_start3A_702 = arith.constant 0 : i32
      %dma_start3A_703 = arith.constant 0 : i32
      %dma_start3A_704 = tpu.memref_slice %arg4[%add3A_692, %dma_start3A_702, %dma_start3A_703] : memref<4096x200x128xf32, #tpu.memory_space<hbm>> -> memref<1x200x64xf32, #tpu.memory_space<hbm>>
      %dma_start3A_705 = tpu.memref_squeeze %dma_start3A_704 : memref<1x200x64xf32, #tpu.memory_space<hbm>> -> memref<200x64xf32, #tpu.memory_space<hbm>>
      %dma_start3A_706 = arith.constant 0 : i32
      %dma_start3A_707 = arith.constant 0 : i32
      %dma_start3A_708 = tpu.memref_slice %arg6[%dma_start3A_693, %dma_start3A_706, %dma_start3A_707] : memref<4x200x64xf32, #tpu.memory_space<vmem>> -> memref<1x200x64xf32, #tpu.memory_space<vmem>>
      %dma_start3A_709 = tpu.memref_squeeze %dma_start3A_708 : memref<1x200x64xf32, #tpu.memory_space<vmem>> -> memref<200x64xf32, #tpu.memory_space<vmem>>
      tpu.enqueue_dma source(%dma_start3A_709 : memref<200x64xf32, #tpu.memory_space<vmem>>) target(%dma_start3A_705 : memref<200x64xf32, #tpu.memory_space<hbm>>) target_semaphore(%arg12 : memref<!tpu.dma_semaphore, #tpu.memory_space<semaphore_mem>>)
      %add3A_710 = arith.constant 2 : i32
      %add3A_711 = arith.addi %add3A_676, %add3A_710 : i32
      %sub3A_712 = arith.constant 4 : i32
      %sub3A_713 = arith.subi %add3A_711, %sub3A_712 : i32
      %add3A_714 = arith.addi %mul3A_2, %sub3A_713 : i32
      %dma_wait3A_715 = arith.constant 3 : i32
      %dma_wait3A_716 = arith.constant 0 : i32
      %dma_wait3A_717 = arith.constant 0 : i32
      %dma_wait3A_718 = tpu.memref_slice %arg6[%dma_wait3A_715, %dma_wait3A_716, %dma_wait3A_717] : memref<4x200x64xf32, #tpu.memory_space<vmem>> -> memref<1x200x64xf32, #tpu.memory_space<vmem>>
      %dma_wait3A_719 = tpu.memref_squeeze %dma_wait3A_718 : memref<1x200x64xf32, #tpu.memory_space<vmem>> -> memref<200x64xf32, #tpu.memory_space<vmem>>
      %dma_wait3A_720 = arith.constant 0 : i32
      %dma_wait3A_721 = arith.constant 0 : i32
      %dma_wait3A_722 = tpu.memref_slice %arg4[%add3A_714, %dma_wait3A_720, %dma_wait3A_721] : memref<4096x200x128xf32, #tpu.memory_space<hbm>> -> memref<1x200x64xf32, #tpu.memory_space<hbm>>
      %dma_wait3A_723 = tpu.memref_squeeze %dma_wait3A_722 : memref<1x200x64xf32, #tpu.memory_space<hbm>> -> memref<200x64xf32, #tpu.memory_space<hbm>>
      %dma_wait3A_724 = arith.constant 0 : i32
      %dma_wait3A_725 = arith.constant 0 : i32
      %dma_wait3A_726 = tpu.memref_slice %arg4[%add3A_714, %dma_wait3A_724, %dma_wait3A_725] : memref<4096x200x128xf32, #tpu.memory_space<hbm>> -> memref<1x200x64xf32, #tpu.memory_space<hbm>>
      %dma_wait3A_727 = tpu.memref_squeeze %dma_wait3A_726 : memref<1x200x64xf32, #tpu.memory_space<hbm>> -> memref<200x64xf32, #tpu.memory_space<hbm>>
      %dma_wait3A_728 = arith.constant 0 : i32
      %dma_wait3A_729 = arith.constant 0 : i32
      %dma_wait3A_730 = tpu.memref_slice %arg6[%dma_wait3A_715, %dma_wait3A_728, %dma_wait3A_729] : memref<4x200x64xf32, #tpu.memory_space<vmem>> -> memref<1x200x64xf32, #tpu.memory_space<vmem>>
      %dma_wait3A_731 = tpu.memref_squeeze %dma_wait3A_730 : memref<1x200x64xf32, #tpu.memory_space<vmem>> -> memref<200x64xf32, #tpu.memory_space<vmem>>
      tpu.wait_dma2 semaphore(%arg14 : memref<!tpu.dma_semaphore, #tpu.memory_space<semaphore_mem>>) src(%dma_wait3A_731 : memref<200x64xf32, #tpu.memory_space<vmem>>) dst(%dma_wait3A_727 : memref<200x64xf32, #tpu.memory_space<hbm>>)
      %mul3A_732 = arith.constant 200 : i32
      %mul3A_733 = arith.muli %add3A_711, %mul3A_732 : i32
      %dma_start3A_734 = arith.constant 3 : i32
      %dma_start3A_735 = arith.constant 0 : i32
      %dma_start3A_736 = arith.constant 0 : i32
      %dma_start3A_737 = tpu.memref_slice %arg6[%dma_start3A_734, %dma_start3A_735, %dma_start3A_736] : memref<4x200x64xf32, #tpu.memory_space<vmem>> -> memref<1x128x64xf32, #tpu.memory_space<vmem>>
      %dma_start3A_738 = tpu.memref_squeeze %dma_start3A_737 : memref<1x128x64xf32, #tpu.memory_space<vmem>> -> memref<128x64xf32, #tpu.memory_space<vmem>>
      %dma_start3A_739 = tpu.memref_slice %arg5[%mul3A_733] : memref<25600xi32, #tpu.memory_space<vmem>> -> memref<128xi32, #tpu.memory_space<vmem>>
      %dma_start3A_740 = arith.constant 0 : i32
      %dma_start3A_741 = arith.constant 0 : i32
      %dma_start3A_742 = tpu.memref_slice %arg3[%dma_start3A_740, %dma_start3A_741] : memref<1000000x64xf32, #tpu.memory_space<hbm>> -> memref<1000000x64xf32, #tpu.memory_space<hbm>>
      tpu.enqueue_indirect_dma source(%dma_start3A_742 : memref<1000000x64xf32, #tpu.memory_space<hbm>>) target(%dma_start3A_738 : memref<128x64xf32, #tpu.memory_space<vmem>>) offsets(%dma_start3A_739 : memref<128xi32, #tpu.memory_space<vmem>>) semaphore(%arg10 : memref<!tpu.dma_semaphore, #tpu.memory_space<semaphore_mem>>)
      %mul3A_743 = arith.constant 200 : i32
      %mul3A_744 = arith.muli %add3A_711, %mul3A_743 : i32
      %add3A_745 = arith.constant 128 : i32
      %add3A_746 = arith.addi %mul3A_744, %add3A_745 : i32
      %dma_start3A_747 = arith.constant 3 : i32
      %dma_start3A_748 = arith.constant 128 : i32
      %dma_start3A_749 = arith.constant 0 : i32
      %dma_start3A_750 = tpu.memref_slice %arg6[%dma_start3A_747, %dma_start3A_748, %dma_start3A_749] : memref<4x200x64xf32, #tpu.memory_space<vmem>> -> memref<1x72x64xf32, #tpu.memory_space<vmem>>
      %dma_start3A_751 = tpu.memref_squeeze %dma_start3A_750 : memref<1x72x64xf32, #tpu.memory_space<vmem>> -> memref<72x64xf32, #tpu.memory_space<vmem>>
      %dma_start3A_752 = tpu.memref_slice %arg5[%add3A_746] : memref<25600xi32, #tpu.memory_space<vmem>> -> memref<72xi32, #tpu.memory_space<vmem>>
      %dma_start3A_753 = arith.constant 0 : i32
      %dma_start3A_754 = arith.constant 0 : i32
      %dma_start3A_755 = tpu.memref_slice %arg3[%dma_start3A_753, %dma_start3A_754] : memref<1000000x64xf32, #tpu.memory_space<hbm>> -> memref<1000000x64xf32, #tpu.memory_space<hbm>>
      tpu.enqueue_indirect_dma source(%dma_start3A_755 : memref<1000000x64xf32, #tpu.memory_space<hbm>>) target(%dma_start3A_751 : memref<72x64xf32, #tpu.memory_space<vmem>>) offsets(%dma_start3A_752 : memref<72xi32, #tpu.memory_space<vmem>>) semaphore(%arg10 : memref<!tpu.dma_semaphore, #tpu.memory_space<semaphore_mem>>)
      %add3A_756 = arith.constant 2 : i32
      %add3A_757 = arith.addi %mul3A_594, %add3A_756 : i32
      %dma_wait3A_758 = arith.constant 2 : i32
      %dma_wait3A_759 = arith.constant 0 : i32
      %dma_wait3A_760 = arith.constant 0 : i32
      %dma_wait3A_761 = tpu.memref_slice %arg6[%dma_wait3A_758, %dma_wait3A_759, %dma_wait3A_760] : memref<4x200x64xf32, #tpu.memory_space<vmem>> -> memref<1x200x64xf32, #tpu.memory_space<vmem>>
      %dma_wait3A_762 = tpu.memref_squeeze %dma_wait3A_761 : memref<1x200x64xf32, #tpu.memory_space<vmem>> -> memref<200x64xf32, #tpu.memory_space<vmem>>
      %dma_wait3A_763 = arith.constant 0 : i32
      %dma_wait3A_764 = arith.constant 0 : i32
      %dma_wait3A_765 = tpu.memref_slice %arg3[%dma_wait3A_763, %dma_wait3A_764] : memref<1000000x64xf32, #tpu.memory_space<hbm>> -> memref<200x64xf32, #tpu.memory_space<hbm>>
      %dma_wait3A_766 = arith.constant 0 : i32
      %dma_wait3A_767 = arith.constant 0 : i32
      %dma_wait3A_768 = tpu.memref_slice %arg6[%dma_wait3A_758, %dma_wait3A_766, %dma_wait3A_767] : memref<4x200x64xf32, #tpu.memory_space<vmem>> -> memref<1x200x64xf32, #tpu.memory_space<vmem>>
      %dma_wait3A_769 = tpu.memref_squeeze %dma_wait3A_768 : memref<1x200x64xf32, #tpu.memory_space<vmem>> -> memref<200x64xf32, #tpu.memory_space<vmem>>
      %dma_wait3A_770 = arith.constant 0 : i32
      %dma_wait3A_771 = arith.constant 0 : i32
      %dma_wait3A_772 = tpu.memref_slice %arg3[%dma_wait3A_770, %dma_wait3A_771] : memref<1000000x64xf32, #tpu.memory_space<hbm>> -> memref<200x64xf32, #tpu.memory_space<hbm>>
      tpu.wait_dma2 semaphore(%arg9 : memref<!tpu.dma_semaphore, #tpu.memory_space<semaphore_mem>>) src(%dma_wait3A_772 : memref<200x64xf32, #tpu.memory_space<hbm>>) dst(%dma_wait3A_769 : memref<200x64xf32, #tpu.memory_space<vmem>>)
      %add3A_773 = arith.addi %mul3A_2, %add3A_757 : i32
      %dma_start3A_774 = arith.constant 2 : i32
      %dma_start3A_775 = arith.constant 0 : i32
      %dma_start3A_776 = arith.constant 0 : i32
      %dma_start3A_777 = tpu.memref_slice %arg6[%dma_start3A_774, %dma_start3A_775, %dma_start3A_776] : memref<4x200x64xf32, #tpu.memory_space<vmem>> -> memref<1x200x64xf32, #tpu.memory_space<vmem>>
      %dma_start3A_778 = tpu.memref_squeeze %dma_start3A_777 : memref<1x200x64xf32, #tpu.memory_space<vmem>> -> memref<200x64xf32, #tpu.memory_space<vmem>>
      %dma_start3A_779 = arith.constant 0 : i32
      %dma_start3A_780 = arith.constant 0 : i32
      %dma_start3A_781 = tpu.memref_slice %arg4[%add3A_773, %dma_start3A_779, %dma_start3A_780] : memref<4096x200x128xf32, #tpu.memory_space<hbm>> -> memref<1x200x64xf32, #tpu.memory_space<hbm>>
      %dma_start3A_782 = tpu.memref_squeeze %dma_start3A_781 : memref<1x200x64xf32, #tpu.memory_space<hbm>> -> memref<200x64xf32, #tpu.memory_space<hbm>>
      %dma_start3A_783 = arith.constant 0 : i32
      %dma_start3A_784 = arith.constant 0 : i32
      %dma_start3A_785 = tpu.memref_slice %arg4[%add3A_773, %dma_start3A_783, %dma_start3A_784] : memref<4096x200x128xf32, #tpu.memory_space<hbm>> -> memref<1x200x64xf32, #tpu.memory_space<hbm>>
      %dma_start3A_786 = tpu.memref_squeeze %dma_start3A_785 : memref<1x200x64xf32, #tpu.memory_space<hbm>> -> memref<200x64xf32, #tpu.memory_space<hbm>>
      %dma_start3A_787 = arith.constant 0 : i32
      %dma_start3A_788 = arith.constant 0 : i32
      %dma_start3A_789 = tpu.memref_slice %arg6[%dma_start3A_774, %dma_start3A_787, %dma_start3A_788] : memref<4x200x64xf32, #tpu.memory_space<vmem>> -> memref<1x200x64xf32, #tpu.memory_space<vmem>>
      %dma_start3A_790 = tpu.memref_squeeze %dma_start3A_789 : memref<1x200x64xf32, #tpu.memory_space<vmem>> -> memref<200x64xf32, #tpu.memory_space<vmem>>
      tpu.enqueue_dma source(%dma_start3A_790 : memref<200x64xf32, #tpu.memory_space<vmem>>) target(%dma_start3A_786 : memref<200x64xf32, #tpu.memory_space<hbm>>) target_semaphore(%arg13 : memref<!tpu.dma_semaphore, #tpu.memory_space<semaphore_mem>>)
      %add3A_791 = arith.constant 2 : i32
      %add3A_792 = arith.addi %add3A_757, %add3A_791 : i32
      %sub3A_793 = arith.constant 4 : i32
      %sub3A_794 = arith.subi %add3A_792, %sub3A_793 : i32
      %add3A_795 = arith.addi %mul3A_2, %sub3A_794 : i32
      %dma_wait3A_796 = arith.constant 0 : i32
      %dma_wait3A_797 = arith.constant 0 : i32
      %dma_wait3A_798 = arith.constant 0 : i32
      %dma_wait3A_799 = tpu.memref_slice %arg6[%dma_wait3A_796, %dma_wait3A_797, %dma_wait3A_798] : memref<4x200x64xf32, #tpu.memory_space<vmem>> -> memref<1x200x64xf32, #tpu.memory_space<vmem>>
      %dma_wait3A_800 = tpu.memref_squeeze %dma_wait3A_799 : memref<1x200x64xf32, #tpu.memory_space<vmem>> -> memref<200x64xf32, #tpu.memory_space<vmem>>
      %dma_wait3A_801 = arith.constant 0 : i32
      %dma_wait3A_802 = arith.constant 0 : i32
      %dma_wait3A_803 = tpu.memref_slice %arg4[%add3A_795, %dma_wait3A_801, %dma_wait3A_802] : memref<4096x200x128xf32, #tpu.memory_space<hbm>> -> memref<1x200x64xf32, #tpu.memory_space<hbm>>
      %dma_wait3A_804 = tpu.memref_squeeze %dma_wait3A_803 : memref<1x200x64xf32, #tpu.memory_space<hbm>> -> memref<200x64xf32, #tpu.memory_space<hbm>>
      %dma_wait3A_805 = arith.constant 0 : i32
      %dma_wait3A_806 = arith.constant 0 : i32
      %dma_wait3A_807 = tpu.memref_slice %arg4[%add3A_795, %dma_wait3A_805, %dma_wait3A_806] : memref<4096x200x128xf32, #tpu.memory_space<hbm>> -> memref<1x200x64xf32, #tpu.memory_space<hbm>>
      %dma_wait3A_808 = tpu.memref_squeeze %dma_wait3A_807 : memref<1x200x64xf32, #tpu.memory_space<hbm>> -> memref<200x64xf32, #tpu.memory_space<hbm>>
      %dma_wait3A_809 = arith.constant 0 : i32
      %dma_wait3A_810 = arith.constant 0 : i32
      %dma_wait3A_811 = tpu.memref_slice %arg6[%dma_wait3A_796, %dma_wait3A_809, %dma_wait3A_810] : memref<4x200x64xf32, #tpu.memory_space<vmem>> -> memref<1x200x64xf32, #tpu.memory_space<vmem>>
      %dma_wait3A_812 = tpu.memref_squeeze %dma_wait3A_811 : memref<1x200x64xf32, #tpu.memory_space<vmem>> -> memref<200x64xf32, #tpu.memory_space<vmem>>
      tpu.wait_dma2 semaphore(%arg11 : memref<!tpu.dma_semaphore, #tpu.memory_space<semaphore_mem>>) src(%dma_wait3A_812 : memref<200x64xf32, #tpu.memory_space<vmem>>) dst(%dma_wait3A_808 : memref<200x64xf32, #tpu.memory_space<hbm>>)
      %mul3A_813 = arith.constant 200 : i32
      %mul3A_814 = arith.muli %add3A_792, %mul3A_813 : i32
      %dma_start3A_815 = arith.constant 0 : i32
      %dma_start3A_816 = arith.constant 0 : i32
      %dma_start3A_817 = arith.constant 0 : i32
      %dma_start3A_818 = tpu.memref_slice %arg6[%dma_start3A_815, %dma_start3A_816, %dma_start3A_817] : memref<4x200x64xf32, #tpu.memory_space<vmem>> -> memref<1x128x64xf32, #tpu.memory_space<vmem>>
      %dma_start3A_819 = tpu.memref_squeeze %dma_start3A_818 : memref<1x128x64xf32, #tpu.memory_space<vmem>> -> memref<128x64xf32, #tpu.memory_space<vmem>>
      %dma_start3A_820 = tpu.memref_slice %arg5[%mul3A_814] : memref<25600xi32, #tpu.memory_space<vmem>> -> memref<128xi32, #tpu.memory_space<vmem>>
      %dma_start3A_821 = arith.constant 0 : i32
      %dma_start3A_822 = arith.constant 0 : i32
      %dma_start3A_823 = tpu.memref_slice %arg3[%dma_start3A_821, %dma_start3A_822] : memref<1000000x64xf32, #tpu.memory_space<hbm>> -> memref<1000000x64xf32, #tpu.memory_space<hbm>>
      tpu.enqueue_indirect_dma source(%dma_start3A_823 : memref<1000000x64xf32, #tpu.memory_space<hbm>>) target(%dma_start3A_819 : memref<128x64xf32, #tpu.memory_space<vmem>>) offsets(%dma_start3A_820 : memref<128xi32, #tpu.memory_space<vmem>>) semaphore(%arg7 : memref<!tpu.dma_semaphore, #tpu.memory_space<semaphore_mem>>)
      %mul3A_824 = arith.constant 200 : i32
      %mul3A_825 = arith.muli %add3A_792, %mul3A_824 : i32
      %add3A_826 = arith.constant 128 : i32
      %add3A_827 = arith.addi %mul3A_825, %add3A_826 : i32
      %dma_start3A_828 = arith.constant 0 : i32
      %dma_start3A_829 = arith.constant 128 : i32
      %dma_start3A_830 = arith.constant 0 : i32
      %dma_start3A_831 = tpu.memref_slice %arg6[%dma_start3A_828, %dma_start3A_829, %dma_start3A_830] : memref<4x200x64xf32, #tpu.memory_space<vmem>> -> memref<1x72x64xf32, #tpu.memory_space<vmem>>
      %dma_start3A_832 = tpu.memref_squeeze %dma_start3A_831 : memref<1x72x64xf32, #tpu.memory_space<vmem>> -> memref<72x64xf32, #tpu.memory_space<vmem>>
      %dma_start3A_833 = tpu.memref_slice %arg5[%add3A_827] : memref<25600xi32, #tpu.memory_space<vmem>> -> memref<72xi32, #tpu.memory_space<vmem>>
      %dma_start3A_834 = arith.constant 0 : i32
      %dma_start3A_835 = arith.constant 0 : i32
      %dma_start3A_836 = tpu.memref_slice %arg3[%dma_start3A_834, %dma_start3A_835] : memref<1000000x64xf32, #tpu.memory_space<hbm>> -> memref<1000000x64xf32, #tpu.memory_space<hbm>>
      tpu.enqueue_indirect_dma source(%dma_start3A_836 : memref<1000000x64xf32, #tpu.memory_space<hbm>>) target(%dma_start3A_832 : memref<72x64xf32, #tpu.memory_space<vmem>>) offsets(%dma_start3A_833 : memref<72xi32, #tpu.memory_space<vmem>>) semaphore(%arg7 : memref<!tpu.dma_semaphore, #tpu.memory_space<semaphore_mem>>)
      %add3A_837 = arith.constant 3 : i32
      %add3A_838 = arith.addi %mul3A_594, %add3A_837 : i32
      %dma_wait3A_839 = arith.constant 3 : i32
      %dma_wait3A_840 = arith.constant 0 : i32
      %dma_wait3A_841 = arith.constant 0 : i32
      %dma_wait3A_842 = tpu.memref_slice %arg6[%dma_wait3A_839, %dma_wait3A_840, %dma_wait3A_841] : memref<4x200x64xf32, #tpu.memory_space<vmem>> -> memref<1x200x64xf32, #tpu.memory_space<vmem>>
      %dma_wait3A_843 = tpu.memref_squeeze %dma_wait3A_842 : memref<1x200x64xf32, #tpu.memory_space<vmem>> -> memref<200x64xf32, #tpu.memory_space<vmem>>
      %dma_wait3A_844 = arith.constant 0 : i32
      %dma_wait3A_845 = arith.constant 0 : i32
      %dma_wait3A_846 = tpu.memref_slice %arg3[%dma_wait3A_844, %dma_wait3A_845] : memref<1000000x64xf32, #tpu.memory_space<hbm>> -> memref<200x64xf32, #tpu.memory_space<hbm>>
      %dma_wait3A_847 = arith.constant 0 : i32
      %dma_wait3A_848 = arith.constant 0 : i32
      %dma_wait3A_849 = tpu.memref_slice %arg6[%dma_wait3A_839, %dma_wait3A_847, %dma_wait3A_848] : memref<4x200x64xf32, #tpu.memory_space<vmem>> -> memref<1x200x64xf32, #tpu.memory_space<vmem>>
      %dma_wait3A_850 = tpu.memref_squeeze %dma_wait3A_849 : memref<1x200x64xf32, #tpu.memory_space<vmem>> -> memref<200x64xf32, #tpu.memory_space<vmem>>
      %dma_wait3A_851 = arith.constant 0 : i32
      %dma_wait3A_852 = arith.constant 0 : i32
      %dma_wait3A_853 = tpu.memref_slice %arg3[%dma_wait3A_851, %dma_wait3A_852] : memref<1000000x64xf32, #tpu.memory_space<hbm>> -> memref<200x64xf32, #tpu.memory_space<hbm>>
      tpu.wait_dma2 semaphore(%arg10 : memref<!tpu.dma_semaphore, #tpu.memory_space<semaphore_mem>>) src(%dma_wait3A_853 : memref<200x64xf32, #tpu.memory_space<hbm>>) dst(%dma_wait3A_850 : memref<200x64xf32, #tpu.memory_space<vmem>>)
      %add3A_854 = arith.addi %mul3A_2, %add3A_838 : i32
      %dma_start3A_855 = arith.constant 3 : i32
      %dma_start3A_856 = arith.constant 0 : i32
      %dma_start3A_857 = arith.constant 0 : i32
      %dma_start3A_858 = tpu.memref_slice %arg6[%dma_start3A_855, %dma_start3A_856, %dma_start3A_857] : memref<4x200x64xf32, #tpu.memory_space<vmem>> -> memref<1x200x64xf32, #tpu.memory_space<vmem>>
      %dma_start3A_859 = tpu.memref_squeeze %dma_start3A_858 : memref<1x200x64xf32, #tpu.memory_space<vmem>> -> memref<200x64xf32, #tpu.memory_space<vmem>>
      %dma_start3A_860 = arith.constant 0 : i32
      %dma_start3A_861 = arith.constant 0 : i32
      %dma_start3A_862 = tpu.memref_slice %arg4[%add3A_854, %dma_start3A_860, %dma_start3A_861] : memref<4096x200x128xf32, #tpu.memory_space<hbm>> -> memref<1x200x64xf32, #tpu.memory_space<hbm>>
      %dma_start3A_863 = tpu.memref_squeeze %dma_start3A_862 : memref<1x200x64xf32, #tpu.memory_space<hbm>> -> memref<200x64xf32, #tpu.memory_space<hbm>>
      %dma_start3A_864 = arith.constant 0 : i32
      %dma_start3A_865 = arith.constant 0 : i32
      %dma_start3A_866 = tpu.memref_slice %arg4[%add3A_854, %dma_start3A_864, %dma_start3A_865] : memref<4096x200x128xf32, #tpu.memory_space<hbm>> -> memref<1x200x64xf32, #tpu.memory_space<hbm>>
      %dma_start3A_867 = tpu.memref_squeeze %dma_start3A_866 : memref<1x200x64xf32, #tpu.memory_space<hbm>> -> memref<200x64xf32, #tpu.memory_space<hbm>>
      %dma_start3A_868 = arith.constant 0 : i32
      %dma_start3A_869 = arith.constant 0 : i32
      %dma_start3A_870 = tpu.memref_slice %arg6[%dma_start3A_855, %dma_start3A_868, %dma_start3A_869] : memref<4x200x64xf32, #tpu.memory_space<vmem>> -> memref<1x200x64xf32, #tpu.memory_space<vmem>>
      %dma_start3A_871 = tpu.memref_squeeze %dma_start3A_870 : memref<1x200x64xf32, #tpu.memory_space<vmem>> -> memref<200x64xf32, #tpu.memory_space<vmem>>
      tpu.enqueue_dma source(%dma_start3A_871 : memref<200x64xf32, #tpu.memory_space<vmem>>) target(%dma_start3A_867 : memref<200x64xf32, #tpu.memory_space<hbm>>) target_semaphore(%arg14 : memref<!tpu.dma_semaphore, #tpu.memory_space<semaphore_mem>>)
      %add3A_872 = arith.constant 2 : i32
      %add3A_873 = arith.addi %add3A_838, %add3A_872 : i32
      %sub3A_874 = arith.constant 4 : i32
      %sub3A_875 = arith.subi %add3A_873, %sub3A_874 : i32
      %add3A_876 = arith.addi %mul3A_2, %sub3A_875 : i32
      %dma_wait3A_877 = arith.constant 1 : i32
      %dma_wait3A_878 = arith.constant 0 : i32
      %dma_wait3A_879 = arith.constant 0 : i32
      %dma_wait3A_880 = tpu.memref_slice %arg6[%dma_wait3A_877, %dma_wait3A_878, %dma_wait3A_879] : memref<4x200x64xf32, #tpu.memory_space<vmem>> -> memref<1x200x64xf32, #tpu.memory_space<vmem>>
      %dma_wait3A_881 = tpu.memref_squeeze %dma_wait3A_880 : memref<1x200x64xf32, #tpu.memory_space<vmem>> -> memref<200x64xf32, #tpu.memory_space<vmem>>
      %dma_wait3A_882 = arith.constant 0 : i32
      %dma_wait3A_883 = arith.constant 0 : i32
      %dma_wait3A_884 = tpu.memref_slice %arg4[%add3A_876, %dma_wait3A_882, %dma_wait3A_883] : memref<4096x200x128xf32, #tpu.memory_space<hbm>> -> memref<1x200x64xf32, #tpu.memory_space<hbm>>
      %dma_wait3A_885 = tpu.memref_squeeze %dma_wait3A_884 : memref<1x200x64xf32, #tpu.memory_space<hbm>> -> memref<200x64xf32, #tpu.memory_space<hbm>>
      %dma_wait3A_886 = arith.constant 0 : i32
      %dma_wait3A_887 = arith.constant 0 : i32
      %dma_wait3A_888 = tpu.memref_slice %arg4[%add3A_876, %dma_wait3A_886, %dma_wait3A_887] : memref<4096x200x128xf32, #tpu.memory_space<hbm>> -> memref<1x200x64xf32, #tpu.memory_space<hbm>>
      %dma_wait3A_889 = tpu.memref_squeeze %dma_wait3A_888 : memref<1x200x64xf32, #tpu.memory_space<hbm>> -> memref<200x64xf32, #tpu.memory_space<hbm>>
      %dma_wait3A_890 = arith.constant 0 : i32
      %dma_wait3A_891 = arith.constant 0 : i32
      %dma_wait3A_892 = tpu.memref_slice %arg6[%dma_wait3A_877, %dma_wait3A_890, %dma_wait3A_891] : memref<4x200x64xf32, #tpu.memory_space<vmem>> -> memref<1x200x64xf32, #tpu.memory_space<vmem>>
      %dma_wait3A_893 = tpu.memref_squeeze %dma_wait3A_892 : memref<1x200x64xf32, #tpu.memory_space<vmem>> -> memref<200x64xf32, #tpu.memory_space<vmem>>
      tpu.wait_dma2 semaphore(%arg12 : memref<!tpu.dma_semaphore, #tpu.memory_space<semaphore_mem>>) src(%dma_wait3A_893 : memref<200x64xf32, #tpu.memory_space<vmem>>) dst(%dma_wait3A_889 : memref<200x64xf32, #tpu.memory_space<hbm>>)
      %mul3A_894 = arith.constant 200 : i32
      %mul3A_895 = arith.muli %add3A_873, %mul3A_894 : i32
      %dma_start3A_896 = arith.constant 1 : i32
      %dma_start3A_897 = arith.constant 0 : i32
      %dma_start3A_898 = arith.constant 0 : i32
      %dma_start3A_899 = tpu.memref_slice %arg6[%dma_start3A_896, %dma_start3A_897, %dma_start3A_898] : memref<4x200x64xf32, #tpu.memory_space<vmem>> -> memref<1x128x64xf32, #tpu.memory_space<vmem>>
      %dma_start3A_900 = tpu.memref_squeeze %dma_start3A_899 : memref<1x128x64xf32, #tpu.memory_space<vmem>> -> memref<128x64xf32, #tpu.memory_space<vmem>>
      %dma_start3A_901 = tpu.memref_slice %arg5[%mul3A_895] : memref<25600xi32, #tpu.memory_space<vmem>> -> memref<128xi32, #tpu.memory_space<vmem>>
      %dma_start3A_902 = arith.constant 0 : i32
      %dma_start3A_903 = arith.constant 0 : i32
      %dma_start3A_904 = tpu.memref_slice %arg3[%dma_start3A_902, %dma_start3A_903] : memref<1000000x64xf32, #tpu.memory_space<hbm>> -> memref<1000000x64xf32, #tpu.memory_space<hbm>>
      tpu.enqueue_indirect_dma source(%dma_start3A_904 : memref<1000000x64xf32, #tpu.memory_space<hbm>>) target(%dma_start3A_900 : memref<128x64xf32, #tpu.memory_space<vmem>>) offsets(%dma_start3A_901 : memref<128xi32, #tpu.memory_space<vmem>>) semaphore(%arg8 : memref<!tpu.dma_semaphore, #tpu.memory_space<semaphore_mem>>)
      %mul3A_905 = arith.constant 200 : i32
      %mul3A_906 = arith.muli %add3A_873, %mul3A_905 : i32
      %add3A_907 = arith.constant 128 : i32
      %add3A_908 = arith.addi %mul3A_906, %add3A_907 : i32
      %dma_start3A_909 = arith.constant 1 : i32
      %dma_start3A_910 = arith.constant 128 : i32
      %dma_start3A_911 = arith.constant 0 : i32
      %dma_start3A_912 = tpu.memref_slice %arg6[%dma_start3A_909, %dma_start3A_910, %dma_start3A_911] : memref<4x200x64xf32, #tpu.memory_space<vmem>> -> memref<1x72x64xf32, #tpu.memory_space<vmem>>
      %dma_start3A_913 = tpu.memref_squeeze %dma_start3A_912 : memref<1x72x64xf32, #tpu.memory_space<vmem>> -> memref<72x64xf32, #tpu.memory_space<vmem>>
      %dma_start3A_914 = tpu.memref_slice %arg5[%add3A_908] : memref<25600xi32, #tpu.memory_space<vmem>> -> memref<72xi32, #tpu.memory_space<vmem>>
      %dma_start3A_915 = arith.constant 0 : i32
      %dma_start3A_916 = arith.constant 0 : i32
      %dma_start3A_917 = tpu.memref_slice %arg3[%dma_start3A_915, %dma_start3A_916] : memref<1000000x64xf32, #tpu.memory_space<hbm>> -> memref<1000000x64xf32, #tpu.memory_space<hbm>>
      tpu.enqueue_indirect_dma source(%dma_start3A_917 : memref<1000000x64xf32, #tpu.memory_space<hbm>>) target(%dma_start3A_913 : memref<72x64xf32, #tpu.memory_space<vmem>>) offsets(%dma_start3A_914 : memref<72xi32, #tpu.memory_space<vmem>>) semaphore(%arg8 : memref<!tpu.dma_semaphore, #tpu.memory_space<semaphore_mem>>)
    }
    %scan3A_301 = arith.constant 30 : i32
    %dma_wait3A_302 = arith.constant 0 : i32
    %dma_wait3A_303 = arith.constant 0 : i32
    %dma_wait3A_304 = arith.constant 0 : i32
    %dma_wait3A_305 = tpu.memref_slice %arg6[%dma_wait3A_302, %dma_wait3A_303, %dma_wait3A_304] : memref<4x200x64xf32, #tpu.memory_space<vmem>> -> memref<1x200x64xf32, #tpu.memory_space<vmem>>
    %dma_wait3A_306 = tpu.memref_squeeze %dma_wait3A_305 : memref<1x200x64xf32, #tpu.memory_space<vmem>> -> memref<200x64xf32, #tpu.memory_space<vmem>>
    %dma_wait3A_307 = arith.constant 0 : i32
    %dma_wait3A_308 = arith.constant 0 : i32
    %dma_wait3A_309 = tpu.memref_slice %arg3[%dma_wait3A_307, %dma_wait3A_308] : memref<1000000x64xf32, #tpu.memory_space<hbm>> -> memref<200x64xf32, #tpu.memory_space<hbm>>
    %dma_wait3A_310 = arith.constant 0 : i32
    %dma_wait3A_311 = arith.constant 0 : i32
    %dma_wait3A_312 = tpu.memref_slice %arg6[%dma_wait3A_302, %dma_wait3A_310, %dma_wait3A_311] : memref<4x200x64xf32, #tpu.memory_space<vmem>> -> memref<1x200x64xf32, #tpu.memory_space<vmem>>
    %dma_wait3A_313 = tpu.memref_squeeze %dma_wait3A_312 : memref<1x200x64xf32, #tpu.memory_space<vmem>> -> memref<200x64xf32, #tpu.memory_space<vmem>>
    %dma_wait3A_314 = arith.constant 0 : i32
    %dma_wait3A_315 = arith.constant 0 : i32
    %dma_wait3A_316 = tpu.memref_slice %arg3[%dma_wait3A_314, %dma_wait3A_315] : memref<1000000x64xf32, #tpu.memory_space<hbm>> -> memref<200x64xf32, #tpu.memory_space<hbm>>
    tpu.wait_dma2 semaphore(%arg7 : memref<!tpu.dma_semaphore, #tpu.memory_space<semaphore_mem>>) src(%dma_wait3A_316 : memref<200x64xf32, #tpu.memory_space<hbm>>) dst(%dma_wait3A_313 : memref<200x64xf32, #tpu.memory_space<vmem>>)
    %add3A_317 = arith.constant 124 : i32
    %add3A_318 = arith.addi %mul3A_2, %add3A_317 : i32
    %dma_start3A_319 = arith.constant 0 : i32
    %dma_start3A_320 = arith.constant 0 : i32
    %dma_start3A_321 = arith.constant 0 : i32
    %dma_start3A_322 = tpu.memref_slice %arg6[%dma_start3A_319, %dma_start3A_320, %dma_start3A_321] : memref<4x200x64xf32, #tpu.memory_space<vmem>> -> memref<1x200x64xf32, #tpu.memory_space<vmem>>
    %dma_start3A_323 = tpu.memref_squeeze %dma_start3A_322 : memref<1x200x64xf32, #tpu.memory_space<vmem>> -> memref<200x64xf32, #tpu.memory_space<vmem>>
    %dma_start3A_324 = arith.constant 0 : i32
    %dma_start3A_325 = arith.constant 0 : i32
    %dma_start3A_326 = tpu.memref_slice %arg4[%add3A_318, %dma_start3A_324, %dma_start3A_325] : memref<4096x200x128xf32, #tpu.memory_space<hbm>> -> memref<1x200x64xf32, #tpu.memory_space<hbm>>
    %dma_start3A_327 = tpu.memref_squeeze %dma_start3A_326 : memref<1x200x64xf32, #tpu.memory_space<hbm>> -> memref<200x64xf32, #tpu.memory_space<hbm>>
    %dma_start3A_328 = arith.constant 0 : i32
    %dma_start3A_329 = arith.constant 0 : i32
    %dma_start3A_330 = tpu.memref_slice %arg4[%add3A_318, %dma_start3A_328, %dma_start3A_329] : memref<4096x200x128xf32, #tpu.memory_space<hbm>> -> memref<1x200x64xf32, #tpu.memory_space<hbm>>
    %dma_start3A_331 = tpu.memref_squeeze %dma_start3A_330 : memref<1x200x64xf32, #tpu.memory_space<hbm>> -> memref<200x64xf32, #tpu.memory_space<hbm>>
    %dma_start3A_332 = arith.constant 0 : i32
    %dma_start3A_333 = arith.constant 0 : i32
    %dma_start3A_334 = tpu.memref_slice %arg6[%dma_start3A_319, %dma_start3A_332, %dma_start3A_333] : memref<4x200x64xf32, #tpu.memory_space<vmem>> -> memref<1x200x64xf32, #tpu.memory_space<vmem>>
    %dma_start3A_335 = tpu.memref_squeeze %dma_start3A_334 : memref<1x200x64xf32, #tpu.memory_space<vmem>> -> memref<200x64xf32, #tpu.memory_space<vmem>>
    tpu.enqueue_dma source(%dma_start3A_335 : memref<200x64xf32, #tpu.memory_space<vmem>>) target(%dma_start3A_331 : memref<200x64xf32, #tpu.memory_space<hbm>>) target_semaphore(%arg11 : memref<!tpu.dma_semaphore, #tpu.memory_space<semaphore_mem>>)
    %add3A_336 = arith.constant 122 : i32
    %add3A_337 = arith.addi %mul3A_2, %add3A_336 : i32
    %dma_wait3A_338 = arith.constant 2 : i32
    %dma_wait3A_339 = arith.constant 0 : i32
    %dma_wait3A_340 = arith.constant 0 : i32
    %dma_wait3A_341 = tpu.memref_slice %arg6[%dma_wait3A_338, %dma_wait3A_339, %dma_wait3A_340] : memref<4x200x64xf32, #tpu.memory_space<vmem>> -> memref<1x200x64xf32, #tpu.memory_space<vmem>>
    %dma_wait3A_342 = tpu.memref_squeeze %dma_wait3A_341 : memref<1x200x64xf32, #tpu.memory_space<vmem>> -> memref<200x64xf32, #tpu.memory_space<vmem>>
    %dma_wait3A_343 = arith.constant 0 : i32
    %dma_wait3A_344 = arith.constant 0 : i32
    %dma_wait3A_345 = tpu.memref_slice %arg4[%add3A_337, %dma_wait3A_343, %dma_wait3A_344] : memref<4096x200x128xf32, #tpu.memory_space<hbm>> -> memref<1x200x64xf32, #tpu.memory_space<hbm>>
    %dma_wait3A_346 = tpu.memref_squeeze %dma_wait3A_345 : memref<1x200x64xf32, #tpu.memory_space<hbm>> -> memref<200x64xf32, #tpu.memory_space<hbm>>
    %dma_wait3A_347 = arith.constant 0 : i32
    %dma_wait3A_348 = arith.constant 0 : i32
    %dma_wait3A_349 = tpu.memref_slice %arg4[%add3A_337, %dma_wait3A_347, %dma_wait3A_348] : memref<4096x200x128xf32, #tpu.memory_space<hbm>> -> memref<1x200x64xf32, #tpu.memory_space<hbm>>
    %dma_wait3A_350 = tpu.memref_squeeze %dma_wait3A_349 : memref<1x200x64xf32, #tpu.memory_space<hbm>> -> memref<200x64xf32, #tpu.memory_space<hbm>>
    %dma_wait3A_351 = arith.constant 0 : i32
    %dma_wait3A_352 = arith.constant 0 : i32
    %dma_wait3A_353 = tpu.memref_slice %arg6[%dma_wait3A_338, %dma_wait3A_351, %dma_wait3A_352] : memref<4x200x64xf32, #tpu.memory_space<vmem>> -> memref<1x200x64xf32, #tpu.memory_space<vmem>>
    %dma_wait3A_354 = tpu.memref_squeeze %dma_wait3A_353 : memref<1x200x64xf32, #tpu.memory_space<vmem>> -> memref<200x64xf32, #tpu.memory_space<vmem>>
    tpu.wait_dma2 semaphore(%arg13 : memref<!tpu.dma_semaphore, #tpu.memory_space<semaphore_mem>>) src(%dma_wait3A_354 : memref<200x64xf32, #tpu.memory_space<vmem>>) dst(%dma_wait3A_350 : memref<200x64xf32, #tpu.memory_space<hbm>>)
    %dma_start3A_355 = arith.constant 2 : i32
    %dma_start3A_356 = arith.constant 0 : i32
    %dma_start3A_357 = arith.constant 0 : i32
    %dma_start3A_358 = tpu.memref_slice %arg6[%dma_start3A_355, %dma_start3A_356, %dma_start3A_357] : memref<4x200x64xf32, #tpu.memory_space<vmem>> -> memref<1x128x64xf32, #tpu.memory_space<vmem>>
    %dma_start3A_359 = tpu.memref_squeeze %dma_start3A_358 : memref<1x128x64xf32, #tpu.memory_space<vmem>> -> memref<128x64xf32, #tpu.memory_space<vmem>>
    %dma_start3A_360 = arith.constant 25200 : i32
    %dma_start3A_361 = tpu.memref_slice %arg5[%dma_start3A_360] : memref<25600xi32, #tpu.memory_space<vmem>> -> memref<128xi32, #tpu.memory_space<vmem>>
    %dma_start3A_362 = arith.constant 0 : i32
    %dma_start3A_363 = arith.constant 0 : i32
    %dma_start3A_364 = tpu.memref_slice %arg3[%dma_start3A_362, %dma_start3A_363] : memref<1000000x64xf32, #tpu.memory_space<hbm>> -> memref<1000000x64xf32, #tpu.memory_space<hbm>>
    tpu.enqueue_indirect_dma source(%dma_start3A_364 : memref<1000000x64xf32, #tpu.memory_space<hbm>>) target(%dma_start3A_359 : memref<128x64xf32, #tpu.memory_space<vmem>>) offsets(%dma_start3A_361 : memref<128xi32, #tpu.memory_space<vmem>>) semaphore(%arg9 : memref<!tpu.dma_semaphore, #tpu.memory_space<semaphore_mem>>)
    %dma_start3A_365 = arith.constant 2 : i32
    %dma_start3A_366 = arith.constant 128 : i32
    %dma_start3A_367 = arith.constant 0 : i32
    %dma_start3A_368 = tpu.memref_slice %arg6[%dma_start3A_365, %dma_start3A_366, %dma_start3A_367] : memref<4x200x64xf32, #tpu.memory_space<vmem>> -> memref<1x72x64xf32, #tpu.memory_space<vmem>>
    %dma_start3A_369 = tpu.memref_squeeze %dma_start3A_368 : memref<1x72x64xf32, #tpu.memory_space<vmem>> -> memref<72x64xf32, #tpu.memory_space<vmem>>
    %dma_start3A_370 = arith.constant 25328 : i32
    %dma_start3A_371 = tpu.memref_slice %arg5[%dma_start3A_370] : memref<25600xi32, #tpu.memory_space<vmem>> -> memref<72xi32, #tpu.memory_space<vmem>>
    %dma_start3A_372 = arith.constant 0 : i32
    %dma_start3A_373 = arith.constant 0 : i32
    %dma_start3A_374 = tpu.memref_slice %arg3[%dma_start3A_372, %dma_start3A_373] : memref<1000000x64xf32, #tpu.memory_space<hbm>> -> memref<1000000x64xf32, #tpu.memory_space<hbm>>
    tpu.enqueue_indirect_dma source(%dma_start3A_374 : memref<1000000x64xf32, #tpu.memory_space<hbm>>) target(%dma_start3A_369 : memref<72x64xf32, #tpu.memory_space<vmem>>) offsets(%dma_start3A_371 : memref<72xi32, #tpu.memory_space<vmem>>) semaphore(%arg9 : memref<!tpu.dma_semaphore, #tpu.memory_space<semaphore_mem>>)
    %dma_wait3A_375 = arith.constant 1 : i32
    %dma_wait3A_376 = arith.constant 0 : i32
    %dma_wait3A_377 = arith.constant 0 : i32
    %dma_wait3A_378 = tpu.memref_slice %arg6[%dma_wait3A_375, %dma_wait3A_376, %dma_wait3A_377] : memref<4x200x64xf32, #tpu.memory_space<vmem>> -> memref<1x200x64xf32, #tpu.memory_space<vmem>>
    %dma_wait3A_379 = tpu.memref_squeeze %dma_wait3A_378 : memref<1x200x64xf32, #tpu.memory_space<vmem>> -> memref<200x64xf32, #tpu.memory_space<vmem>>
    %dma_wait3A_380 = arith.constant 0 : i32
    %dma_wait3A_381 = arith.constant 0 : i32
    %dma_wait3A_382 = tpu.memref_slice %arg3[%dma_wait3A_380, %dma_wait3A_381] : memref<1000000x64xf32, #tpu.memory_space<hbm>> -> memref<200x64xf32, #tpu.memory_space<hbm>>
    %dma_wait3A_383 = arith.constant 0 : i32
    %dma_wait3A_384 = arith.constant 0 : i32
    %dma_wait3A_385 = tpu.memref_slice %arg6[%dma_wait3A_375, %dma_wait3A_383, %dma_wait3A_384] : memref<4x200x64xf32, #tpu.memory_space<vmem>> -> memref<1x200x64xf32, #tpu.memory_space<vmem>>
    %dma_wait3A_386 = tpu.memref_squeeze %dma_wait3A_385 : memref<1x200x64xf32, #tpu.memory_space<vmem>> -> memref<200x64xf32, #tpu.memory_space<vmem>>
    %dma_wait3A_387 = arith.constant 0 : i32
    %dma_wait3A_388 = arith.constant 0 : i32
    %dma_wait3A_389 = tpu.memref_slice %arg3[%dma_wait3A_387, %dma_wait3A_388] : memref<1000000x64xf32, #tpu.memory_space<hbm>> -> memref<200x64xf32, #tpu.memory_space<hbm>>
    tpu.wait_dma2 semaphore(%arg8 : memref<!tpu.dma_semaphore, #tpu.memory_space<semaphore_mem>>) src(%dma_wait3A_389 : memref<200x64xf32, #tpu.memory_space<hbm>>) dst(%dma_wait3A_386 : memref<200x64xf32, #tpu.memory_space<vmem>>)
    %add3A_390 = arith.constant 125 : i32
    %add3A_391 = arith.addi %mul3A_2, %add3A_390 : i32
    %dma_start3A_392 = arith.constant 1 : i32
    %dma_start3A_393 = arith.constant 0 : i32
    %dma_start3A_394 = arith.constant 0 : i32
    %dma_start3A_395 = tpu.memref_slice %arg6[%dma_start3A_392, %dma_start3A_393, %dma_start3A_394] : memref<4x200x64xf32, #tpu.memory_space<vmem>> -> memref<1x200x64xf32, #tpu.memory_space<vmem>>
    %dma_start3A_396 = tpu.memref_squeeze %dma_start3A_395 : memref<1x200x64xf32, #tpu.memory_space<vmem>> -> memref<200x64xf32, #tpu.memory_space<vmem>>
    %dma_start3A_397 = arith.constant 0 : i32
    %dma_start3A_398 = arith.constant 0 : i32
    %dma_start3A_399 = tpu.memref_slice %arg4[%add3A_391, %dma_start3A_397, %dma_start3A_398] : memref<4096x200x128xf32, #tpu.memory_space<hbm>> -> memref<1x200x64xf32, #tpu.memory_space<hbm>>
    %dma_start3A_400 = tpu.memref_squeeze %dma_start3A_399 : memref<1x200x64xf32, #tpu.memory_space<hbm>> -> memref<200x64xf32, #tpu.memory_space<hbm>>
    %dma_start3A_401 = arith.constant 0 : i32
    %dma_start3A_402 = arith.constant 0 : i32
    %dma_start3A_403 = tpu.memref_slice %arg4[%add3A_391, %dma_start3A_401, %dma_start3A_402] : memref<4096x200x128xf32, #tpu.memory_space<hbm>> -> memref<1x200x64xf32, #tpu.memory_space<hbm>>
    %dma_start3A_404 = tpu.memref_squeeze %dma_start3A_403 : memref<1x200x64xf32, #tpu.memory_space<hbm>> -> memref<200x64xf32, #tpu.memory_space<hbm>>
    %dma_start3A_405 = arith.constant 0 : i32
    %dma_start3A_406 = arith.constant 0 : i32
    %dma_start3A_407 = tpu.memref_slice %arg6[%dma_start3A_392, %dma_start3A_405, %dma_start3A_406] : memref<4x200x64xf32, #tpu.memory_space<vmem>> -> memref<1x200x64xf32, #tpu.memory_space<vmem>>
    %dma_start3A_408 = tpu.memref_squeeze %dma_start3A_407 : memref<1x200x64xf32, #tpu.memory_space<vmem>> -> memref<200x64xf32, #tpu.memory_space<vmem>>
    tpu.enqueue_dma source(%dma_start3A_408 : memref<200x64xf32, #tpu.memory_space<vmem>>) target(%dma_start3A_404 : memref<200x64xf32, #tpu.memory_space<hbm>>) target_semaphore(%arg12 : memref<!tpu.dma_semaphore, #tpu.memory_space<semaphore_mem>>)
    %add3A_409 = arith.constant 123 : i32
    %add3A_410 = arith.addi %mul3A_2, %add3A_409 : i32
    %dma_wait3A_411 = arith.constant 3 : i32
    %dma_wait3A_412 = arith.constant 0 : i32
    %dma_wait3A_413 = arith.constant 0 : i32
    %dma_wait3A_414 = tpu.memref_slice %arg6[%dma_wait3A_411, %dma_wait3A_412, %dma_wait3A_413] : memref<4x200x64xf32, #tpu.memory_space<vmem>> -> memref<1x200x64xf32, #tpu.memory_space<vmem>>
    %dma_wait3A_415 = tpu.memref_squeeze %dma_wait3A_414 : memref<1x200x64xf32, #tpu.memory_space<vmem>> -> memref<200x64xf32, #tpu.memory_space<vmem>>
    %dma_wait3A_416 = arith.constant 0 : i32
    %dma_wait3A_417 = arith.constant 0 : i32
    %dma_wait3A_418 = tpu.memref_slice %arg4[%add3A_410, %dma_wait3A_416, %dma_wait3A_417] : memref<4096x200x128xf32, #tpu.memory_space<hbm>> -> memref<1x200x64xf32, #tpu.memory_space<hbm>>
    %dma_wait3A_419 = tpu.memref_squeeze %dma_wait3A_418 : memref<1x200x64xf32, #tpu.memory_space<hbm>> -> memref<200x64xf32, #tpu.memory_space<hbm>>
    %dma_wait3A_420 = arith.constant 0 : i32
    %dma_wait3A_421 = arith.constant 0 : i32
    %dma_wait3A_422 = tpu.memref_slice %arg4[%add3A_410, %dma_wait3A_420, %dma_wait3A_421] : memref<4096x200x128xf32, #tpu.memory_space<hbm>> -> memref<1x200x64xf32, #tpu.memory_space<hbm>>
    %dma_wait3A_423 = tpu.memref_squeeze %dma_wait3A_422 : memref<1x200x64xf32, #tpu.memory_space<hbm>> -> memref<200x64xf32, #tpu.memory_space<hbm>>
    %dma_wait3A_424 = arith.constant 0 : i32
    %dma_wait3A_425 = arith.constant 0 : i32
    %dma_wait3A_426 = tpu.memref_slice %arg6[%dma_wait3A_411, %dma_wait3A_424, %dma_wait3A_425] : memref<4x200x64xf32, #tpu.memory_space<vmem>> -> memref<1x200x64xf32, #tpu.memory_space<vmem>>
    %dma_wait3A_427 = tpu.memref_squeeze %dma_wait3A_426 : memref<1x200x64xf32, #tpu.memory_space<vmem>> -> memref<200x64xf32, #tpu.memory_space<vmem>>
    tpu.wait_dma2 semaphore(%arg14 : memref<!tpu.dma_semaphore, #tpu.memory_space<semaphore_mem>>) src(%dma_wait3A_427 : memref<200x64xf32, #tpu.memory_space<vmem>>) dst(%dma_wait3A_423 : memref<200x64xf32, #tpu.memory_space<hbm>>)
    %dma_start3A_428 = arith.constant 3 : i32
    %dma_start3A_429 = arith.constant 0 : i32
    %dma_start3A_430 = arith.constant 0 : i32
    %dma_start3A_431 = tpu.memref_slice %arg6[%dma_start3A_428, %dma_start3A_429, %dma_start3A_430] : memref<4x200x64xf32, #tpu.memory_space<vmem>> -> memref<1x128x64xf32, #tpu.memory_space<vmem>>
    %dma_start3A_432 = tpu.memref_squeeze %dma_start3A_431 : memref<1x128x64xf32, #tpu.memory_space<vmem>> -> memref<128x64xf32, #tpu.memory_space<vmem>>
    %dma_start3A_433 = arith.constant 25400 : i32
    %dma_start3A_434 = tpu.memref_slice %arg5[%dma_start3A_433] : memref<25600xi32, #tpu.memory_space<vmem>> -> memref<128xi32, #tpu.memory_space<vmem>>
    %dma_start3A_435 = arith.constant 0 : i32
    %dma_start3A_436 = arith.constant 0 : i32
    %dma_start3A_437 = tpu.memref_slice %arg3[%dma_start3A_435, %dma_start3A_436] : memref<1000000x64xf32, #tpu.memory_space<hbm>> -> memref<1000000x64xf32, #tpu.memory_space<hbm>>
    tpu.enqueue_indirect_dma source(%dma_start3A_437 : memref<1000000x64xf32, #tpu.memory_space<hbm>>) target(%dma_start3A_432 : memref<128x64xf32, #tpu.memory_space<vmem>>) offsets(%dma_start3A_434 : memref<128xi32, #tpu.memory_space<vmem>>) semaphore(%arg10 : memref<!tpu.dma_semaphore, #tpu.memory_space<semaphore_mem>>)
    %dma_start3A_438 = arith.constant 3 : i32
    %dma_start3A_439 = arith.constant 128 : i32
    %dma_start3A_440 = arith.constant 0 : i32
    %dma_start3A_441 = tpu.memref_slice %arg6[%dma_start3A_438, %dma_start3A_439, %dma_start3A_440] : memref<4x200x64xf32, #tpu.memory_space<vmem>> -> memref<1x72x64xf32, #tpu.memory_space<vmem>>
    %dma_start3A_442 = tpu.memref_squeeze %dma_start3A_441 : memref<1x72x64xf32, #tpu.memory_space<vmem>> -> memref<72x64xf32, #tpu.memory_space<vmem>>
    %dma_start3A_443 = arith.constant 25528 : i32
    %dma_start3A_444 = tpu.memref_slice %arg5[%dma_start3A_443] : memref<25600xi32, #tpu.memory_space<vmem>> -> memref<72xi32, #tpu.memory_space<vmem>>
    %dma_start3A_445 = arith.constant 0 : i32
    %dma_start3A_446 = arith.constant 0 : i32
    %dma_start3A_447 = tpu.memref_slice %arg3[%dma_start3A_445, %dma_start3A_446] : memref<1000000x64xf32, #tpu.memory_space<hbm>> -> memref<1000000x64xf32, #tpu.memory_space<hbm>>
    tpu.enqueue_indirect_dma source(%dma_start3A_447 : memref<1000000x64xf32, #tpu.memory_space<hbm>>) target(%dma_start3A_442 : memref<72x64xf32, #tpu.memory_space<vmem>>) offsets(%dma_start3A_444 : memref<72xi32, #tpu.memory_space<vmem>>) semaphore(%arg10 : memref<!tpu.dma_semaphore, #tpu.memory_space<semaphore_mem>>)
    %dma_wait3A_448 = arith.constant 2 : i32
    %dma_wait3A_449 = arith.constant 0 : i32
    %dma_wait3A_450 = arith.constant 0 : i32
    %dma_wait3A_451 = tpu.memref_slice %arg6[%dma_wait3A_448, %dma_wait3A_449, %dma_wait3A_450] : memref<4x200x64xf32, #tpu.memory_space<vmem>> -> memref<1x200x64xf32, #tpu.memory_space<vmem>>
    %dma_wait3A_452 = tpu.memref_squeeze %dma_wait3A_451 : memref<1x200x64xf32, #tpu.memory_space<vmem>> -> memref<200x64xf32, #tpu.memory_space<vmem>>
    %dma_wait3A_453 = arith.constant 0 : i32
    %dma_wait3A_454 = arith.constant 0 : i32
    %dma_wait3A_455 = tpu.memref_slice %arg3[%dma_wait3A_453, %dma_wait3A_454] : memref<1000000x64xf32, #tpu.memory_space<hbm>> -> memref<200x64xf32, #tpu.memory_space<hbm>>
    %dma_wait3A_456 = arith.constant 0 : i32
    %dma_wait3A_457 = arith.constant 0 : i32
    %dma_wait3A_458 = tpu.memref_slice %arg6[%dma_wait3A_448, %dma_wait3A_456, %dma_wait3A_457] : memref<4x200x64xf32, #tpu.memory_space<vmem>> -> memref<1x200x64xf32, #tpu.memory_space<vmem>>
    %dma_wait3A_459 = tpu.memref_squeeze %dma_wait3A_458 : memref<1x200x64xf32, #tpu.memory_space<vmem>> -> memref<200x64xf32, #tpu.memory_space<vmem>>
    %dma_wait3A_460 = arith.constant 0 : i32
    %dma_wait3A_461 = arith.constant 0 : i32
    %dma_wait3A_462 = tpu.memref_slice %arg3[%dma_wait3A_460, %dma_wait3A_461] : memref<1000000x64xf32, #tpu.memory_space<hbm>> -> memref<200x64xf32, #tpu.memory_space<hbm>>
    tpu.wait_dma2 semaphore(%arg9 : memref<!tpu.dma_semaphore, #tpu.memory_space<semaphore_mem>>) src(%dma_wait3A_462 : memref<200x64xf32, #tpu.memory_space<hbm>>) dst(%dma_wait3A_459 : memref<200x64xf32, #tpu.memory_space<vmem>>)
    %add3A_463 = arith.constant 126 : i32
    %add3A_464 = arith.addi %mul3A_2, %add3A_463 : i32
    %dma_start3A_465 = arith.constant 2 : i32
    %dma_start3A_466 = arith.constant 0 : i32
    %dma_start3A_467 = arith.constant 0 : i32
    %dma_start3A_468 = tpu.memref_slice %arg6[%dma_start3A_465, %dma_start3A_466, %dma_start3A_467] : memref<4x200x64xf32, #tpu.memory_space<vmem>> -> memref<1x200x64xf32, #tpu.memory_space<vmem>>
    %dma_start3A_469 = tpu.memref_squeeze %dma_start3A_468 : memref<1x200x64xf32, #tpu.memory_space<vmem>> -> memref<200x64xf32, #tpu.memory_space<vmem>>
    %dma_start3A_470 = arith.constant 0 : i32
    %dma_start3A_471 = arith.constant 0 : i32
    %dma_start3A_472 = tpu.memref_slice %arg4[%add3A_464, %dma_start3A_470, %dma_start3A_471] : memref<4096x200x128xf32, #tpu.memory_space<hbm>> -> memref<1x200x64xf32, #tpu.memory_space<hbm>>
    %dma_start3A_473 = tpu.memref_squeeze %dma_start3A_472 : memref<1x200x64xf32, #tpu.memory_space<hbm>> -> memref<200x64xf32, #tpu.memory_space<hbm>>
    %dma_start3A_474 = arith.constant 0 : i32
    %dma_start3A_475 = arith.constant 0 : i32
    %dma_start3A_476 = tpu.memref_slice %arg4[%add3A_464, %dma_start3A_474, %dma_start3A_475] : memref<4096x200x128xf32, #tpu.memory_space<hbm>> -> memref<1x200x64xf32, #tpu.memory_space<hbm>>
    %dma_start3A_477 = tpu.memref_squeeze %dma_start3A_476 : memref<1x200x64xf32, #tpu.memory_space<hbm>> -> memref<200x64xf32, #tpu.memory_space<hbm>>
    %dma_start3A_478 = arith.constant 0 : i32
    %dma_start3A_479 = arith.constant 0 : i32
    %dma_start3A_480 = tpu.memref_slice %arg6[%dma_start3A_465, %dma_start3A_478, %dma_start3A_479] : memref<4x200x64xf32, #tpu.memory_space<vmem>> -> memref<1x200x64xf32, #tpu.memory_space<vmem>>
    %dma_start3A_481 = tpu.memref_squeeze %dma_start3A_480 : memref<1x200x64xf32, #tpu.memory_space<vmem>> -> memref<200x64xf32, #tpu.memory_space<vmem>>
    tpu.enqueue_dma source(%dma_start3A_481 : memref<200x64xf32, #tpu.memory_space<vmem>>) target(%dma_start3A_477 : memref<200x64xf32, #tpu.memory_space<hbm>>) target_semaphore(%arg13 : memref<!tpu.dma_semaphore, #tpu.memory_space<semaphore_mem>>)
    %dma_wait3A_482 = arith.constant 3 : i32
    %dma_wait3A_483 = arith.constant 0 : i32
    %dma_wait3A_484 = arith.constant 0 : i32
    %dma_wait3A_485 = tpu.memref_slice %arg6[%dma_wait3A_482, %dma_wait3A_483, %dma_wait3A_484] : memref<4x200x64xf32, #tpu.memory_space<vmem>> -> memref<1x200x64xf32, #tpu.memory_space<vmem>>
    %dma_wait3A_486 = tpu.memref_squeeze %dma_wait3A_485 : memref<1x200x64xf32, #tpu.memory_space<vmem>> -> memref<200x64xf32, #tpu.memory_space<vmem>>
    %dma_wait3A_487 = arith.constant 0 : i32
    %dma_wait3A_488 = arith.constant 0 : i32
    %dma_wait3A_489 = tpu.memref_slice %arg3[%dma_wait3A_487, %dma_wait3A_488] : memref<1000000x64xf32, #tpu.memory_space<hbm>> -> memref<200x64xf32, #tpu.memory_space<hbm>>
    %dma_wait3A_490 = arith.constant 0 : i32
    %dma_wait3A_491 = arith.constant 0 : i32
    %dma_wait3A_492 = tpu.memref_slice %arg6[%dma_wait3A_482, %dma_wait3A_490, %dma_wait3A_491] : memref<4x200x64xf32, #tpu.memory_space<vmem>> -> memref<1x200x64xf32, #tpu.memory_space<vmem>>
    %dma_wait3A_493 = tpu.memref_squeeze %dma_wait3A_492 : memref<1x200x64xf32, #tpu.memory_space<vmem>> -> memref<200x64xf32, #tpu.memory_space<vmem>>
    %dma_wait3A_494 = arith.constant 0 : i32
    %dma_wait3A_495 = arith.constant 0 : i32
    %dma_wait3A_496 = tpu.memref_slice %arg3[%dma_wait3A_494, %dma_wait3A_495] : memref<1000000x64xf32, #tpu.memory_space<hbm>> -> memref<200x64xf32, #tpu.memory_space<hbm>>
    tpu.wait_dma2 semaphore(%arg10 : memref<!tpu.dma_semaphore, #tpu.memory_space<semaphore_mem>>) src(%dma_wait3A_496 : memref<200x64xf32, #tpu.memory_space<hbm>>) dst(%dma_wait3A_493 : memref<200x64xf32, #tpu.memory_space<vmem>>)
    %add3A_497 = arith.constant 127 : i32
    %add3A_498 = arith.addi %mul3A_2, %add3A_497 : i32
    %dma_start3A_499 = arith.constant 3 : i32
    %dma_start3A_500 = arith.constant 0 : i32
    %dma_start3A_501 = arith.constant 0 : i32
    %dma_start3A_502 = tpu.memref_slice %arg6[%dma_start3A_499, %dma_start3A_500, %dma_start3A_501] : memref<4x200x64xf32, #tpu.memory_space<vmem>> -> memref<1x200x64xf32, #tpu.memory_space<vmem>>
    %dma_start3A_503 = tpu.memref_squeeze %dma_start3A_502 : memref<1x200x64xf32, #tpu.memory_space<vmem>> -> memref<200x64xf32, #tpu.memory_space<vmem>>
    %dma_start3A_504 = arith.constant 0 : i32
    %dma_start3A_505 = arith.constant 0 : i32
    %dma_start3A_506 = tpu.memref_slice %arg4[%add3A_498, %dma_start3A_504, %dma_start3A_505] : memref<4096x200x128xf32, #tpu.memory_space<hbm>> -> memref<1x200x64xf32, #tpu.memory_space<hbm>>
    %dma_start3A_507 = tpu.memref_squeeze %dma_start3A_506 : memref<1x200x64xf32, #tpu.memory_space<hbm>> -> memref<200x64xf32, #tpu.memory_space<hbm>>
    %dma_start3A_508 = arith.constant 0 : i32
    %dma_start3A_509 = arith.constant 0 : i32
    %dma_start3A_510 = tpu.memref_slice %arg4[%add3A_498, %dma_start3A_508, %dma_start3A_509] : memref<4096x200x128xf32, #tpu.memory_space<hbm>> -> memref<1x200x64xf32, #tpu.memory_space<hbm>>
    %dma_start3A_511 = tpu.memref_squeeze %dma_start3A_510 : memref<1x200x64xf32, #tpu.memory_space<hbm>> -> memref<200x64xf32, #tpu.memory_space<hbm>>
    %dma_start3A_512 = arith.constant 0 : i32
    %dma_start3A_513 = arith.constant 0 : i32
    %dma_start3A_514 = tpu.memref_slice %arg6[%dma_start3A_499, %dma_start3A_512, %dma_start3A_513] : memref<4x200x64xf32, #tpu.memory_space<vmem>> -> memref<1x200x64xf32, #tpu.memory_space<vmem>>
    %dma_start3A_515 = tpu.memref_squeeze %dma_start3A_514 : memref<1x200x64xf32, #tpu.memory_space<vmem>> -> memref<200x64xf32, #tpu.memory_space<vmem>>
    tpu.enqueue_dma source(%dma_start3A_515 : memref<200x64xf32, #tpu.memory_space<vmem>>) target(%dma_start3A_511 : memref<200x64xf32, #tpu.memory_space<hbm>>) target_semaphore(%arg14 : memref<!tpu.dma_semaphore, #tpu.memory_space<semaphore_mem>>)
    %add3A_516 = arith.constant 124 : i32
    %add3A_517 = arith.addi %mul3A_2, %add3A_516 : i32
    %dma_wait3A_518 = arith.constant 0 : i32
    %dma_wait3A_519 = arith.constant 0 : i32
    %dma_wait3A_520 = arith.constant 0 : i32
    %dma_wait3A_521 = tpu.memref_slice %arg6[%dma_wait3A_518, %dma_wait3A_519, %dma_wait3A_520] : memref<4x200x64xf32, #tpu.memory_space<vmem>> -> memref<1x200x64xf32, #tpu.memory_space<vmem>>
    %dma_wait3A_522 = tpu.memref_squeeze %dma_wait3A_521 : memref<1x200x64xf32, #tpu.memory_space<vmem>> -> memref<200x64xf32, #tpu.memory_space<vmem>>
    %dma_wait3A_523 = arith.constant 0 : i32
    %dma_wait3A_524 = arith.constant 0 : i32
    %dma_wait3A_525 = tpu.memref_slice %arg4[%add3A_517, %dma_wait3A_523, %dma_wait3A_524] : memref<4096x200x128xf32, #tpu.memory_space<hbm>> -> memref<1x200x64xf32, #tpu.memory_space<hbm>>
    %dma_wait3A_526 = tpu.memref_squeeze %dma_wait3A_525 : memref<1x200x64xf32, #tpu.memory_space<hbm>> -> memref<200x64xf32, #tpu.memory_space<hbm>>
    %dma_wait3A_527 = arith.constant 0 : i32
    %dma_wait3A_528 = arith.constant 0 : i32
    %dma_wait3A_529 = tpu.memref_slice %arg4[%add3A_517, %dma_wait3A_527, %dma_wait3A_528] : memref<4096x200x128xf32, #tpu.memory_space<hbm>> -> memref<1x200x64xf32, #tpu.memory_space<hbm>>
    %dma_wait3A_530 = tpu.memref_squeeze %dma_wait3A_529 : memref<1x200x64xf32, #tpu.memory_space<hbm>> -> memref<200x64xf32, #tpu.memory_space<hbm>>
    %dma_wait3A_531 = arith.constant 0 : i32
    %dma_wait3A_532 = arith.constant 0 : i32
    %dma_wait3A_533 = tpu.memref_slice %arg6[%dma_wait3A_518, %dma_wait3A_531, %dma_wait3A_532] : memref<4x200x64xf32, #tpu.memory_space<vmem>> -> memref<1x200x64xf32, #tpu.memory_space<vmem>>
    %dma_wait3A_534 = tpu.memref_squeeze %dma_wait3A_533 : memref<1x200x64xf32, #tpu.memory_space<vmem>> -> memref<200x64xf32, #tpu.memory_space<vmem>>
    tpu.wait_dma2 semaphore(%arg11 : memref<!tpu.dma_semaphore, #tpu.memory_space<semaphore_mem>>) src(%dma_wait3A_534 : memref<200x64xf32, #tpu.memory_space<vmem>>) dst(%dma_wait3A_530 : memref<200x64xf32, #tpu.memory_space<hbm>>)
    %add3A_535 = arith.constant 125 : i32
    %add3A_536 = arith.addi %mul3A_2, %add3A_535 : i32
    %dma_wait3A_537 = arith.constant 1 : i32
    %dma_wait3A_538 = arith.constant 0 : i32
    %dma_wait3A_539 = arith.constant 0 : i32
    %dma_wait3A_540 = tpu.memref_slice %arg6[%dma_wait3A_537, %dma_wait3A_538, %dma_wait3A_539] : memref<4x200x64xf32, #tpu.memory_space<vmem>> -> memref<1x200x64xf32, #tpu.memory_space<vmem>>
    %dma_wait3A_541 = tpu.memref_squeeze %dma_wait3A_540 : memref<1x200x64xf32, #tpu.memory_space<vmem>> -> memref<200x64xf32, #tpu.memory_space<vmem>>
    %dma_wait3A_542 = arith.constant 0 : i32
    %dma_wait3A_543 = arith.constant 0 : i32
    %dma_wait3A_544 = tpu.memref_slice %arg4[%add3A_536, %dma_wait3A_542, %dma_wait3A_543] : memref<4096x200x128xf32, #tpu.memory_space<hbm>> -> memref<1x200x64xf32, #tpu.memory_space<hbm>>
    %dma_wait3A_545 = tpu.memref_squeeze %dma_wait3A_544 : memref<1x200x64xf32, #tpu.memory_space<hbm>> -> memref<200x64xf32, #tpu.memory_space<hbm>>
    %dma_wait3A_546 = arith.constant 0 : i32
    %dma_wait3A_547 = arith.constant 0 : i32
    %dma_wait3A_548 = tpu.memref_slice %arg4[%add3A_536, %dma_wait3A_546, %dma_wait3A_547] : memref<4096x200x128xf32, #tpu.memory_space<hbm>> -> memref<1x200x64xf32, #tpu.memory_space<hbm>>
    %dma_wait3A_549 = tpu.memref_squeeze %dma_wait3A_548 : memref<1x200x64xf32, #tpu.memory_space<hbm>> -> memref<200x64xf32, #tpu.memory_space<hbm>>
    %dma_wait3A_550 = arith.constant 0 : i32
    %dma_wait3A_551 = arith.constant 0 : i32
    %dma_wait3A_552 = tpu.memref_slice %arg6[%dma_wait3A_537, %dma_wait3A_550, %dma_wait3A_551] : memref<4x200x64xf32, #tpu.memory_space<vmem>> -> memref<1x200x64xf32, #tpu.memory_space<vmem>>
    %dma_wait3A_553 = tpu.memref_squeeze %dma_wait3A_552 : memref<1x200x64xf32, #tpu.memory_space<vmem>> -> memref<200x64xf32, #tpu.memory_space<vmem>>
    tpu.wait_dma2 semaphore(%arg12 : memref<!tpu.dma_semaphore, #tpu.memory_space<semaphore_mem>>) src(%dma_wait3A_553 : memref<200x64xf32, #tpu.memory_space<vmem>>) dst(%dma_wait3A_549 : memref<200x64xf32, #tpu.memory_space<hbm>>)
    %add3A_554 = arith.constant 126 : i32
    %add3A_555 = arith.addi %mul3A_2, %add3A_554 : i32
    %dma_wait3A_556 = arith.constant 2 : i32
    %dma_wait3A_557 = arith.constant 0 : i32
    %dma_wait3A_558 = arith.constant 0 : i32
    %dma_wait3A_559 = tpu.memref_slice %arg6[%dma_wait3A_556, %dma_wait3A_557, %dma_wait3A_558] : memref<4x200x64xf32, #tpu.memory_space<vmem>> -> memref<1x200x64xf32, #tpu.memory_space<vmem>>
    %dma_wait3A_560 = tpu.memref_squeeze %dma_wait3A_559 : memref<1x200x64xf32, #tpu.memory_space<vmem>> -> memref<200x64xf32, #tpu.memory_space<vmem>>
    %dma_wait3A_561 = arith.constant 0 : i32
    %dma_wait3A_562 = arith.constant 0 : i32
    %dma_wait3A_563 = tpu.memref_slice %arg4[%add3A_555, %dma_wait3A_561, %dma_wait3A_562] : memref<4096x200x128xf32, #tpu.memory_space<hbm>> -> memref<1x200x64xf32, #tpu.memory_space<hbm>>
    %dma_wait3A_564 = tpu.memref_squeeze %dma_wait3A_563 : memref<1x200x64xf32, #tpu.memory_space<hbm>> -> memref<200x64xf32, #tpu.memory_space<hbm>>
    %dma_wait3A_565 = arith.constant 0 : i32
    %dma_wait3A_566 = arith.constant 0 : i32
    %dma_wait3A_567 = tpu.memref_slice %arg4[%add3A_555, %dma_wait3A_565, %dma_wait3A_566] : memref<4096x200x128xf32, #tpu.memory_space<hbm>> -> memref<1x200x64xf32, #tpu.memory_space<hbm>>
    %dma_wait3A_568 = tpu.memref_squeeze %dma_wait3A_567 : memref<1x200x64xf32, #tpu.memory_space<hbm>> -> memref<200x64xf32, #tpu.memory_space<hbm>>
    %dma_wait3A_569 = arith.constant 0 : i32
    %dma_wait3A_570 = arith.constant 0 : i32
    %dma_wait3A_571 = tpu.memref_slice %arg6[%dma_wait3A_556, %dma_wait3A_569, %dma_wait3A_570] : memref<4x200x64xf32, #tpu.memory_space<vmem>> -> memref<1x200x64xf32, #tpu.memory_space<vmem>>
    %dma_wait3A_572 = tpu.memref_squeeze %dma_wait3A_571 : memref<1x200x64xf32, #tpu.memory_space<vmem>> -> memref<200x64xf32, #tpu.memory_space<vmem>>
    tpu.wait_dma2 semaphore(%arg13 : memref<!tpu.dma_semaphore, #tpu.memory_space<semaphore_mem>>) src(%dma_wait3A_572 : memref<200x64xf32, #tpu.memory_space<vmem>>) dst(%dma_wait3A_568 : memref<200x64xf32, #tpu.memory_space<hbm>>)
    %add3A_573 = arith.constant 127 : i32
    %add3A_574 = arith.addi %mul3A_2, %add3A_573 : i32
    %dma_wait3A_575 = arith.constant 3 : i32
    %dma_wait3A_576 = arith.constant 0 : i32
    %dma_wait3A_577 = arith.constant 0 : i32
    %dma_wait3A_578 = tpu.memref_slice %arg6[%dma_wait3A_575, %dma_wait3A_576, %dma_wait3A_577] : memref<4x200x64xf32, #tpu.memory_space<vmem>> -> memref<1x200x64xf32, #tpu.memory_space<vmem>>
    %dma_wait3A_579 = tpu.memref_squeeze %dma_wait3A_578 : memref<1x200x64xf32, #tpu.memory_space<vmem>> -> memref<200x64xf32, #tpu.memory_space<vmem>>
    %dma_wait3A_580 = arith.constant 0 : i32
    %dma_wait3A_581 = arith.constant 0 : i32
    %dma_wait3A_582 = tpu.memref_slice %arg4[%add3A_574, %dma_wait3A_580, %dma_wait3A_581] : memref<4096x200x128xf32, #tpu.memory_space<hbm>> -> memref<1x200x64xf32, #tpu.memory_space<hbm>>
    %dma_wait3A_583 = tpu.memref_squeeze %dma_wait3A_582 : memref<1x200x64xf32, #tpu.memory_space<hbm>> -> memref<200x64xf32, #tpu.memory_space<hbm>>
    %dma_wait3A_584 = arith.constant 0 : i32
    %dma_wait3A_585 = arith.constant 0 : i32
    %dma_wait3A_586 = tpu.memref_slice %arg4[%add3A_574, %dma_wait3A_584, %dma_wait3A_585] : memref<4096x200x128xf32, #tpu.memory_space<hbm>> -> memref<1x200x64xf32, #tpu.memory_space<hbm>>
    %dma_wait3A_587 = tpu.memref_squeeze %dma_wait3A_586 : memref<1x200x64xf32, #tpu.memory_space<hbm>> -> memref<200x64xf32, #tpu.memory_space<hbm>>
    %dma_wait3A_588 = arith.constant 0 : i32
    %dma_wait3A_589 = arith.constant 0 : i32
    %dma_wait3A_590 = tpu.memref_slice %arg6[%dma_wait3A_575, %dma_wait3A_588, %dma_wait3A_589] : memref<4x200x64xf32, #tpu.memory_space<vmem>> -> memref<1x200x64xf32, #tpu.memory_space<vmem>>
    %dma_wait3A_591 = tpu.memref_squeeze %dma_wait3A_590 : memref<1x200x64xf32, #tpu.memory_space<vmem>> -> memref<200x64xf32, #tpu.memory_space<vmem>>
    tpu.wait_dma2 semaphore(%arg14 : memref<!tpu.dma_semaphore, #tpu.memory_space<semaphore_mem>>) src(%dma_wait3A_591 : memref<200x64xf32, #tpu.memory_space<vmem>>) dst(%dma_wait3A_587 : memref<200x64xf32, #tpu.memory_space<hbm>>)
    return
  }
}

</mosaic_0001>

<sc_bundles>
// kernel: kernel.3.cloned.1.call-start
scs
__scs_entry_jumppad:
0x0: {  	(pc) =	sbr.rel $0x88, $3  }
0x1: {  	(tag) =	ssettag $0x0;
	lr =	simm.s32 $0x1  }
0x2: {  	[smem:$0x3F9F] =	sst lr;
	_ =	strace $0xD0000000  }
0x3: {  	_ = 	snop  }
0x4: {  	_ = 	snop  }
0x5: {  	_ = 	snop  }
0x6: {  	_ = 	snop  }
0x7: {  	_ = 	snop  }
__scs_overlays_trampoline_lowered:
0x8: {  	[smem:$0x3FAE] =	sst s0  }
0x9: {  	[smem:$0x3FAF] =	sst s1  }
0xa: {  	[smem:$0x3FB0] =	sst s2  }
0xb: {  	[smem:$0x3FB1] =	sst s3  }
0xc: {  	[smem:$0x3FB2] =	sst s4  }
0xd: {  	[smem:$0x3FB3] =	sst s5  }
0xe: {  	[smem:$0x3FB4] =	sst s6  }
0xf: {  	[smem:$0x3FB5] =	sst s7  }
0x10: {  	[smem:$0x3FB6] =	sst s8  }
0x11: {  	[smem:$0x3FB7] =	sst s9;
	s0 =	simm.s32 @!p0 $0x0  }
0x12: {  	s1 =	sld [smem:$0x3F9D];
	s0 =	simm.s32 @p0 $0x1  }
0x13: {  	[smem:$0x3FB8] =	sst s0;
	s0 =	simm.s32 @!p1 $0x0  }
0x14: {  	s2 =	sld [smem:$0x3F9C];
	s0 =	simm.s32 @p1 $0x1  }
0x15: {  	[smem:$0x3FB9] =	sst s0;
	s0 =	simm.s32 @!p2 $0x0  }
0x16: {  	s3 =	sld [smem:$0x3FDB];
	s0 =	simm.s32 @p2 $0x1  }
0x17: {  	s4 =	simm.s32 $0x1BF5;
	[smem:$0x3FBB] =	sst s0  }
0x18: {  	s0 =	sld [smem:$0x3F9E];
	_ =	swait.ge [sflag:s4], $0x0  }
0x19: {  	s7 =	sld [smem:$0x3F9F]  }
0x1a: {  	s8 =	sadd.s32 $0xFFFFE003, lr  }
0x1b: {  	s9 =	sadd.s32 $0xFFFFFEF7, lr;
	s5 =	simm.s32 $0xFFFFFFFF;
	p2 =	slt.u32 s8, $0xFFFFF086  }
0x1c: {  	p1 =	slt.u32 s9, $0xF7A;
	s5 =	simm.s32 @!p2 $0x0  }
0x1d: {  	s5 =	simm.s32 @p1 $0x1;
	p0 =	seq.s32 s7, s2  }
0x1e: {  	s7 =	smul.u32 @!p0 $0xF7A, s2;
	p2 =	seq.s32 @!p0 s5, $0x0  }
0x1f: {  	s9 =	smul.u32 $0xF7A, s1;
	s8 =	simm.s32 @!p0 $0x1BF5;
	p2 =	por !p2, p0  }
0x20: {  	[sflag:s8] =	ssyncset.s32 @!p0 $0xFFFFF086;
	s6 =	sadd.s32 @!p0 s3, s7;
	s7 =	simm.s32 @!p0 $0x108  }
0x21: {  	s3 =	sadd.s32 s3, s9;
	s6 =	sadd.s32 @!p0 $0x88, s6;
	s7 =	simm.s32 @p2 $0x1082  }
0x22: {  	[simem:s7], [sflag:s8] =	dma.local @!p0 [hbm:s6], $0xF7A  }
0x23: {  	s9 =	sor.u32 $0xD0000000, s2;
	s6 =	simm.s32 $0x108;
	_ =	swait.ge @!p0 [sflag:s8], $0x0  }
0x24: {  	s3 =	sadd.s32 $0x88, s3;
	s6 =	simm.s32 @!p1 $0x1082;
	[sflag:s4] =	ssyncset.s32 $0xFFFFF086  }
0x25: {  	[simem:s6], [sflag:s4] =	dma.local [hbm:s3], $0xF7A  }
0x26: {  	[smem:$0x3F9F] =	sst s1;
	(tag) =	ssettag s2;
	_ =	strace s9  }
0x27: {  	s1 =	sld [smem:$0x3FAF]  }
0x28: {  	s2 =	sld [smem:$0x3FB0]  }
0x29: {  	s4 =	sld [smem:$0x3FB2]  }
0x2a: {  	p0 =	seq.s32 s5, $0x0;
	s5 =	sld [smem:$0x3FB3]  }
0x2b: {  	s6 =	sld [smem:$0x3FB4]  }
0x2c: {  	s7 =	sld [smem:$0x3FB5]  }
0x2d: {  	s3 =	simm.s32 $0x108;
	s8 =	sld [smem:$0x3FB6]  }
0x2e: {  	s3 =	simm.s32 @!p0 $0x1082;
	s9 =	sld [smem:$0x3FB7]  }
0x2f: {  	lr =	sadd.s32 s0, s3;
	s0 =	sld [smem:$0x3FAE]  }
0x30: {  	s3 =	sld [smem:$0x3FB1]  }
0x31: {  	[smem:$0x3FBA] =	sst s10  }
0x32: {  	s10 =	sld [smem:$0x3FB8];
	_ =	sdelay $0x3  }
0x33: {  	p0 =	seq.s32 s10, $0x1;
	s10 =	sld [smem:$0x3FBA];
	_ =	sdelay $0x3  }
0x34: {  	[smem:$0x3FBA] =	sst s10  }
0x35: {  	s10 =	sld [smem:$0x3FB9];
	_ =	sdelay $0x3  }
0x36: {  	p1 =	seq.s32 s10, $0x1;
	s10 =	sld [smem:$0x3FBA];
	_ =	sdelay $0x3  }
0x37: {  	[smem:$0x3FBA] =	sst s10  }
0x38: {  	s10 =	sld [smem:$0x3FBB]  }
0x39: {  	_ = 	snop;
	(pc) =	sbr.ind lr, $3  }
0x3a: {  	_ = 	snop  }
0x3b: {  	_ = 	snop  }
0x3c: {  	p2 =	seq.s32 s10, $0x1;
	s10 =	sld [smem:$0x3FBA]  }
0x3d: {  	_ =	shalt  }
0x3e: {  	_ =	shalt  }
0x3f: {  	_ =	shalt  }
0x40: {  	_ =	shalt  }
0x41: {  	_ =	shalt  }
0x42: {  	_ =	shalt  }
0x43: {  	_ =	shalt  }
0x44: {  	_ =	shalt  }
0x45: {  	_ =	shalt  }
0x46: {  	_ =	shalt  }
0x47: {  	_ =	shalt  }
0x48: {  	_ =	shalt  }
0x49: {  	_ =	shalt  }
0x4a: {  	_ =	shalt  }
0x4b: {  	_ =	shalt  }
0x4c: {  	_ =	shalt  }
0x4d: {  	_ =	shalt  }
0x4e: {  	_ =	shalt  }
0x4f: {  	_ =	shalt  }
0x50: {  	_ =	shalt  }
0x51: {  	_ =	shalt  }
0x52: {  	_ =	shalt  }
0x53: {  	_ =	shalt  }
0x54: {  	_ =	shalt  }
0x55: {  	_ =	shalt  }
0x56: {  	_ =	shalt  }
0x57: {  	_ =	shalt  }
0x58: {  	_ =	shalt  }
0x59: {  	_ =	shalt  }
0x5a: {  	_ =	shalt  }
0x5b: {  	_ =	shalt  }
0x5c: {  	_ =	shalt  }
0x5d: {  	_ =	shalt  }
0x5e: {  	_ =	shalt  }
0x5f: {  	_ =	shalt  }
0x60: {  	_ =	shalt  }
0x61: {  	_ =	shalt  }
0x62: {  	_ =	shalt  }
0x63: {  	_ =	shalt  }
0x64: {  	_ =	shalt  }
0x65: {  	_ =	shalt  }
0x66: {  	_ =	shalt  }
0x67: {  	_ =	shalt  }
0x68: {  	_ =	shalt  }
0x69: {  	_ =	shalt  }
0x6a: {  	_ =	shalt  }
0x6b: {  	_ =	shalt  }
0x6c: {  	_ =	shalt  }
0x6d: {  	_ =	shalt  }
0x6e: {  	_ =	shalt  }
0x6f: {  	_ =	shalt  }
0x70: {  	_ =	shalt  }
0x71: {  	_ =	shalt  }
0x72: {  	_ =	shalt  }
0x73: {  	_ =	shalt  }
0x74: {  	_ =	shalt  }
0x75: {  	_ =	shalt  }
0x76: {  	_ =	shalt  }
0x77: {  	_ =	shalt  }
0x78: {  	_ =	shalt  }
0x79: {  	_ =	shalt  }
0x7a: {  	_ =	shalt  }
0x7b: {  	_ =	shalt  }
0x7c: {  	_ =	shalt  }
0x7d: {  	_ =	shalt  }
0x7e: {  	_ =	shalt  }
0x7f: {  	_ =	shalt  }
0x80: {  	_ =	shalt  }
0x81: {  	_ =	shalt  }
0x82: {  	_ =	shalt  }
0x83: {  	_ =	shalt  }
0x84: {  	_ =	shalt  }
0x85: {  	_ =	shalt  }
0x86: {  	_ =	shalt  }
0x87: {  	_ =	shalt  }
.Lfunc_end0:
.L_simem_size_0:
called_computation.1_lowered:
.L_overlay_start_0:
0x88: {  	s2 =	sld [smem:$0x3FD9]  }
0x89: {  	s3 =	sld [smem:$0x3FFE];
	_ =	sdelay $0x1  }
0x8a: {  	s1 =	srdreg.scid  }
0x8b: {  	s0 =	sand.u32 $0x1, s1  }
0x8c: {  	s17 =	sshll.u32 s0, $0xA;
	s2 =	sadd.s32 s3, s2  }
0x8d: {  	s2 =	sadd.s32 s2, s17  }
0x8e: {  	[smem:$0x3FC6] =	sst s2  }
0x8f: {  	_ = 	snop  }
0x90: {  	s2 =	sld [smem:$0x3FD0];
	(tm) =	ssettm $0x1  }
0x91: {  	s18 =	sld [smem:$0x3FFB];
	_ =	sdelay $0x3  }
0x92: {  	_ =	strace s18  }
0x93: {  	s3 =	sld [smem:$0x3FFC];
	_ =	sdelay $0x3  }
0x94: {  	_ =	strace s3  }
0x95: {  	s3 =	sld [smem:$0x3FFD];
	_ =	sdelay $0x3  }
0x96: {  	_ =	strace s3  }
0x97: {  	_ =	strace $0x8FFFFFFF  }
0x98: {  	s19 =	sld [smem:$0x3FDB];
	_ =	sdelay $0x1  }
0x99: {  	s4 =	simm.s32 $_scs_section_size  }
0x9a: {  	s5 =	simm.s32 $_size__tile_overlayer_lowered;
	s6 =	simm.s32 $_tile_overlayer_lowered  }
0x9b: {  	s22 =	simm.s32 $0x1BFF;
	s21 =	sshll.u32 s6, $0x1;
	s3 =	sadd.s32 s4, s19  }
0x9c: {  	s7 =	simm.s32 $0x0;
	s20 =	sshll.u32 s5, $0x1;
	s5 =	sadd.s32 s21, s3  }
0x9d: {  	[timem:s7], [sflag:s22] =	dma.local [hbm:s5], s20  }
0x9e: {  	_ =	swait.ge [sflag:s22], s20  }
0x9f: {  	s4 =	ssub.s32 $0x0, s20;
	[sflag:s22] =	ssyncset.done $0x0  }
0xa0: {  	[sflag:s22] =	ssyncadd.s32 s4;
	_ =	sdelay $0x1  }
0xa1: {  	s23 =	simm.s32 $0x1B8B  }
0xa2: {  	_ =	swait.ge [sflag:s23], $0x1  }
0xa3: {  	[sflag:s23] =	ssyncset.done $0x0  }
0xa4: {  	s25 =	simm.s32 $0x1B8E;
	s24 =	sld [smem:$0x3FFE];
	[sflag:s23] =	ssyncadd.s32 $0xFFFFFFFF  }
0xa5: {  	s26 =	simm.s32 $execute0_lowered;
	[smem:$0x3FD2] =	sst s25  }
0xa6: {  	s5 =	sshll.u32 s26, $0x1;
	_ =	strace $0x80000046;
	[dreg:$0x1] =	wrdreg $0xFFFFFFFF  }
0xa7: {  	s28 =	simm.s32 $_size_execute0_lowered;
	s3 =	sadd.s32 s3, s5;
	[dreg:$0x0] =	wrdreg $0x0  }
0xa8: {  	s5 =	sshll.u32 s28, $0x1;
	[dreg:$0x2] =	wrdreg s3  }
0xa9: {  	[dreg:$0x3] =	wrdreg s5  }
0xaa: {  	[dreg:$0x4] =	wrdreg $0xC0  }
0xab: {  	_ =	task [dreg:s7], $0x5FFFF  }
0xac: {  	[dreg:$0x1] =	wrdreg $0xFFFFFFFF  }
0xad: {  	[dreg:$0x0] =	wrdreg $0x60  }
0xae: {  	[dreg:$0x2] =	wrdreg s2  }
0xaf: {  	[dreg:$0x3] =	wrdreg s24  }
0xb0: {  	[dreg:$0x4] =	wrdreg $0x9  }
0xb1: {  	_ =	task.clear_ibuf [dreg:s7], $0x5FFFF;
	_ =	strace $0x90000046  }
0xb2: {  	s29 =	simm.s32 $0x9;
	_ =	strace $0x80000048  }
0xb3: {  	_ =	swait.ge [sflag:s29], $0x1  }
0xb4: {  	[sflag:s29] =	ssyncadd.s32 $0xFFFFFFFF  }
0xb5: {  	_ =	strace $0x90000048  }
0xb6: {  	_ =	sfence  }
0xb7: {  	s30 =	sld [smem:$0x0];
	_ =	sdelay $0x2  }
0xb8: {  	s31 =	sshll.u32 s1, $0xD;
	s1 =	sshrl.u32 s1, $0x2  }
0xb9: {  	s3 =	sand.u32 $0x4000, s31;
	s1 =	sadd.s32 s1, s30  }
0xba: {  	s0 =	sor.u32 s3, s0;
	s1 =	sshll.u32 s1, $0x11  }
0xbb: {  	s0 =	sor.u32 s1, s0  }
0xbc: {  	s0 =	sadd.s32 $0x8F2B, s0  }
0xbd: {  	[sflag:s0] =	ssyncadd.remote.s32 $0x1  }
0xbe: {  	_ =	sfence.sel $0xFFFF  }
0xbf: {  	[dreg:$0x0] =	wrdreg $0xFFFFFFFF;
	(pc) =	sbr.abs _section_cstart, $3  }
0xc0: {  	[dreg:$0x1] =	wrdreg $0xFFFFFFFF  }
0xc1: {  	_ =	task.clear_ibuf [dreg:s7], $0x2FFFF;
	_ =	strace $0x9FFFFFFF  }
0xc2: {  	(tm) =	ssettm $0x7FFFFFFF  }
0xc3: {  	_ =	shalt  }
tec
execute0_lowered:
.L_overlay_start_1:
0x0: {  	(tag) =	ssettag $0x1  }
0x1: {  	s0 =	rddreg [dreg:$0x0];
	s1 =	srdreg.scid  }
0x2: {  	s10 =	stileid.u32;
	s2 =	rddreg [dreg:$0x1];
	s4 =	simm.s32 $0x0  }
0x3: {  	s15 =	simm.s32 $0x9;
	s16 =	simm.s32 $0x80;
	s17 =	simm.s32 $0x6400  }
0x4: {  	s28 =	simm.s32 $0xC800;
	s30 =	simm.s32 $0xE800;
	s31 =	simm.s32 $0x2  }
0x5: {  	s1 =	sand.u32 $0x1, s1;
	s3 =	sshll.u32 s10, $0x1;
	s23 =	smul.u32 $0xC8000, s10  }
0x6: {  	s3 =	sor.u32 s1, s3;
	s18 =	ssub.s32 $0x2, s1;
	s1 =	smul.u32 $0x64000, s1  }
0x7: {  	s29 =	simm.s32 $0x5;
	[smem:$0x7FF] =	sst s4;
	s5 =	smul.u32 $0xC80, s3  }
0x8: {  	s7 =	sadd.s32 $0xA00, s2;
	_ =	strace $0x80000047;
	s6 =	smul.u32 $0x64000, s3  }
0x9: {  	s8 =	sshrl.u32 s18, $0x1;
	s9 =	smul.u32 $0x320000, s3;
	s3 =	sadd.s32 $0xF42E00, s2  }
0xa: {  	s2 =	simm.s32 $0x7;
	s19 =	ssub.s32 s18, s8;
	s18 =	simm.s32 $0x48  }
0xb: {  	s4 =	sadd.s32 s7, s6;
	s0 =	sadd.s32 s0, s5;
	s21 =	sshrl.u32 s9, $0x3  }
0xc: {  	s5 =	sadd.s32 s23, s7;
	s13 =	smax.u32 s19, $0x1;
	s19 =	simm.s32 $0x8400  }
0xd: {  	s23 =	simm.s32 $0xB600;
	[dreg:$0x3] =	wrdreg s0;
	s20 =	sadd.s32 $0xC80, s4  }
0xe: {  	s22 =	sadd.s32 $0x1900, s4;
	s0 =	sadd.s32 s7, s21;
	s6 =	sadd.s32 $0x2580, s4  }
0xf: {  	s26 =	sadd.s32 s1, s5;
	s21 =	simm.s32 $0x9600;
	[dreg:$0x4] =	wrdreg s20  }
0x10: {  	s1 =	simm.s32 $0x4;
	s5 =	simm.s32 $0x8;
	[dreg:$0x5] =	wrdreg s22  }
0x11: {  	[dreg:$0x6] =	wrdreg s6;
	s24 =	sadd.s32 $0x60E00, s0;
	s25 =	sadd.s32 $0x61A80, s0  }
0x12: {  	s11 =	sadd.s32 $0x62700, s0;
	s12 =	sadd.s32 $0x63380, s0;
	s14 =	sadd.s32 $0x3200, s26  }
0x13: {  	s0 =	simm.s32 $0xFA00;
	s22 =	simm.s32 $0x11A00;
	s26 =	simm.s32 $0x3  }
0x14: {  	s20 =	simm.s32 $0x6;
	s6 =	simm.s32 $0x0;
	[dreg:$0x7] =	wrdreg s24  }
0x15: {  	[dreg:$0x8] =	wrdreg s25;
	s24 =	simm.s32 $0x1;
	s25 =	simm.s32 $0x40  }
.LBB2_1:
0x16: {  	s7 =	simm.s32 $0x0;
	s8 =	rddreg [dreg:$0x3]  }
0x17: {  	[tilespmem:s7], [sflag:$0x9] =	stream.linear.gather [hbm4b:s8+s7], $0x6400, $0x38;
	[tilespmem:$0x12C00] =	vst v63  }
0x18: {  	_ =	swait.ge [sflag:s15], $0x6400  }
0x19: {  	[sflag:s15] =	ssyncset.done $0x0  }
0x1a: {  	[sflag:s15] =	ssyncadd.s32 $0xFFFF9C00  }
0x1b: {  	[tilespmem:s17], [sflag:$0x1] =	stream.indirect.gather [hbm4b:s3+s16], $0x40, s7, s16, $0xb8;
	[tilespmem:$0x12C00] =	vst v63  }
0x1c: {  	_ = 	snop  }
0x1d: {  	[tilespmem:s19], [sflag:$0x1] =	stream.indirect.gather [hbm4b:s3+s18], $0x40, s16, s18, $0xb8;
	[tilespmem:$0x12C00] =	vst v63  }
0x1e: {  	s9 =	simm.s32 $0xC8  }
0x1f: {  	[tilespmem:s21], [sflag:$0x2] =	stream.indirect.gather [hbm4b:s3+s16], $0x40, s9, s16, $0xb8;
	[tilespmem:$0x12C00] =	vst v63  }
0x20: {  	s10 =	simm.s32 $0x148  }
0x21: {  	[tilespmem:s23], [sflag:$0x2] =	stream.indirect.gather [hbm4b:s3+s18], $0x40, s10, s18, $0xb8;
	[tilespmem:$0x12C00] =	vst v63  }
0x22: {  	_ =	swait.ge [sflag:s24], $0x3200  }
0x23: {  	[sflag:s24] =	ssyncset.done $0x0  }
0x24: {  	[sflag:s24] =	ssyncadd.s32 $0xFFFFCE00  }
0x25: {  	[hbm4b:s4+s25] =	stream.strided.scatter [tilespmem:s17], [sflag:$0x5], $0x3200, s16, s25, $0x38;
	[tilespmem:$0x12C00] =	vst v63  }
0x26: {  	s8 =	simm.s32 $0x190  }
0x27: {  	[tilespmem:s28], [sflag:$0x3] =	stream.indirect.gather [hbm4b:s3+s16], $0x40, s8, s16, $0xb8;
	[tilespmem:$0x12C00] =	vst v63  }
0x28: {  	s9 =	simm.s32 $0x210  }
0x29: {  	[tilespmem:s30], [sflag:$0x3] =	stream.indirect.gather [hbm4b:s3+s18], $0x40, s9, s18, $0xb8;
	[tilespmem:$0x12C00] =	vst v63  }
0x2a: {  	_ =	swait.ge [sflag:s31], $0x3200  }
0x2b: {  	[sflag:s31] =	ssyncset.done $0x0  }
0x2c: {  	s10 =	rddreg [dreg:$0x4];
	[sflag:s31] =	ssyncadd.s32 $0xFFFFCE00  }
0x2d: {  	[hbm4b:s10+s25] =	stream.strided.scatter [tilespmem:s21], [sflag:$0x6], $0x3200, s16, s25, $0x38;
	[tilespmem:$0x12C00] =	vst v63  }
0x2e: {  	s8 =	simm.s32 $0x258  }
0x2f: {  	[tilespmem:s0], [sflag:$0x4] =	stream.indirect.gather [hbm4b:s3+s16], $0x40, s8, s16, $0xb8;
	[tilespmem:$0x12C00] =	vst v63  }
0x30: {  	s9 =	simm.s32 $0x2D8  }
0x31: {  	[tilespmem:s22], [sflag:$0x4] =	stream.indirect.gather [hbm4b:s3+s18], $0x40, s9, s18, $0xb8;
	[tilespmem:$0x12C00] =	vst v63  }
0x32: {  	_ =	swait.ge [sflag:s26], $0x3200  }
0x33: {  	[sflag:s26] =	ssyncset.done $0x0  }
0x34: {  	s10 =	rddreg [dreg:$0x5];
	[sflag:s26] =	ssyncadd.s32 $0xFFFFCE00  }
0x35: {  	[hbm4b:s10+s25] =	stream.strided.scatter [tilespmem:s28], [sflag:$0x7], $0x3200, s16, s25, $0x38;
	[tilespmem:$0x12C00] =	vst v63  }
0x36: {  	_ =	swait.ge [sflag:s29], $0x3200  }
0x37: {  	[sflag:s29] =	ssyncset.done $0x0  }
0x38: {  	s8 =	simm.s32 $0x320;
	[sflag:s29] =	ssyncadd.s32 $0xFFFFCE00  }
0x39: {  	[tilespmem:s17], [sflag:$0x1] =	stream.indirect.gather [hbm4b:s3+s16], $0x40, s8, s16, $0xb8;
	[tilespmem:$0x12C00] =	vst v63  }
0x3a: {  	s9 =	simm.s32 $0x3A0  }
0x3b: {  	[tilespmem:s19], [sflag:$0x1] =	stream.indirect.gather [hbm4b:s3+s18], $0x40, s9, s18, $0xb8;
	[tilespmem:$0x12C00] =	vst v63  }
0x3c: {  	_ =	swait.ge [sflag:s1], $0x3200  }
0x3d: {  	[sflag:s1] =	ssyncset.done $0x0  }
0x3e: {  	s10 =	rddreg [dreg:$0x6];
	[sflag:s1] =	ssyncadd.s32 $0xFFFFCE00  }
0x3f: {  	[hbm4b:s10+s25] =	stream.strided.scatter [tilespmem:s0], [sflag:$0x8], $0x3200, s16, s25, $0x38;
	[tilespmem:$0x12C00] =	vst v63  }
0x40: {  	_ =	swait.ge [sflag:s20], $0x3200  }
0x41: {  	[sflag:s20] =	ssyncset.done $0x0  }
0x42: {  	s8 =	simm.s32 $0x3E8;
	[sflag:s20] =	ssyncadd.s32 $0xFFFFCE00  }
0x43: {  	[tilespmem:s21], [sflag:$0x2] =	stream.indirect.gather [hbm4b:s3+s16], $0x40, s8, s16, $0xb8;
	[tilespmem:$0x12C00] =	vst v63  }
0x44: {  	s9 =	simm.s32 $0x468  }
0x45: {  	[tilespmem:s23], [sflag:$0x2] =	stream.indirect.gather [hbm4b:s3+s18], $0x40, s9, s18, $0xb8;
	[tilespmem:$0x12C00] =	vst v63  }
0x46: {  	_ =	swait.ge [sflag:s24], $0x3200  }
0x47: {  	[sflag:s24] =	ssyncset.done $0x0  }
0x48: {  	[sflag:s24] =	ssyncadd.s32 $0xFFFFCE00  }
0x49: {  	[hbm4b:s14+s25] =	stream.strided.scatter [tilespmem:s17], [sflag:$0x5], $0x3200, s16, s25, $0x38;
	[tilespmem:$0x12C00] =	vst v63  }
0x4a: {  	_ =	swait.ge [sflag:s2], $0x3200  }
0x4b: {  	[sflag:s2] =	ssyncset.done $0x0  }
0x4c: {  	s10 =	simm.s32 $0x4B0;
	[sflag:s2] =	ssyncadd.s32 $0xFFFFCE00  }
0x4d: {  	[tilespmem:s28], [sflag:$0x3] =	stream.indirect.gather [hbm4b:s3+s16], $0x40, s10, s16, $0xb8;
	[tilespmem:$0x12C00] =	vst v63  }
0x4e: {  	s8 =	simm.s32 $0x530  }
0x4f: {  	[tilespmem:s30], [sflag:$0x3] =	stream.indirect.gather [hbm4b:s3+s18], $0x40, s8, s18, $0xb8;
	[tilespmem:$0x12C00] =	vst v63  }
0x50: {  	_ =	swait.ge [sflag:s31], $0x3200  }
0x51: {  	[sflag:s31] =	ssyncset.done $0x0  }
0x52: {  	s9 =	sadd.s32 $0xC80, s14;
	[sflag:s31] =	ssyncadd.s32 $0xFFFFCE00  }
0x53: {  	[hbm4b:s9+s25] =	stream.strided.scatter [tilespmem:s21], [sflag:$0x6], $0x3200, s16, s25, $0x38;
	[tilespmem:$0x12C00] =	vst v63  }
0x54: {  	_ =	swait.ge [sflag:s5], $0x3200  }
0x55: {  	[sflag:s5] =	ssyncset.done $0x0  }
0x56: {  	s10 =	simm.s32 $0x578;
	[sflag:s5] =	ssyncadd.s32 $0xFFFFCE00  }
0x57: {  	[tilespmem:s0], [sflag:$0x4] =	stream.indirect.gather [hbm4b:s3+s16], $0x40, s10, s16, $0xb8;
	[tilespmem:$0x12C00] =	vst v63  }
0x58: {  	s8 =	simm.s32 $0x5F8  }
0x59: {  	[tilespmem:s22], [sflag:$0x4] =	stream.indirect.gather [hbm4b:s3+s18], $0x40, s8, s18, $0xb8;
	[tilespmem:$0x12C00] =	vst v63  }
0x5a: {  	_ =	swait.ge [sflag:s26], $0x3200  }
0x5b: {  	[sflag:s26] =	ssyncset.done $0x0  }
0x5c: {  	s9 =	sadd.s32 $0x1900, s14;
	[sflag:s26] =	ssyncadd.s32 $0xFFFFCE00  }
0x5d: {  	[hbm4b:s9+s25] =	stream.strided.scatter [tilespmem:s28], [sflag:$0x7], $0x3200, s16, s25, $0x38;
	[tilespmem:$0x12C00] =	vst v63  }
0x5e: {  	_ =	swait.ge [sflag:s29], $0x3200  }
0x5f: {  	[sflag:s29] =	ssyncset.done $0x0  }
0x60: {  	s10 =	simm.s32 $0x640;
	[sflag:s29] =	ssyncadd.s32 $0xFFFFCE00  }
0x61: {  	[tilespmem:s17], [sflag:$0x1] =	stream.indirect.gather [hbm4b:s3+s16], $0x40, s10, s16, $0xb8;
	[tilespmem:$0x12C00] =	vst v63  }
0x62: {  	s8 =	simm.s32 $0x6C0  }
0x63: {  	[tilespmem:s19], [sflag:$0x1] =	stream.indirect.gather [hbm4b:s3+s18], $0x40, s8, s18, $0xb8;
	[tilespmem:$0x12C00] =	vst v63  }
0x64: {  	_ =	swait.ge [sflag:s1], $0x3200  }
0x65: {  	[sflag:s1] =	ssyncset.done $0x0  }
0x66: {  	s9 =	sadd.s32 $0x2580, s14;
	[sflag:s1] =	ssyncadd.s32 $0xFFFFCE00  }
0x67: {  	[hbm4b:s9+s25] =	stream.strided.scatter [tilespmem:s0], [sflag:$0x8], $0x3200, s16, s25, $0x38;
	[tilespmem:$0x12C00] =	vst v63  }
0x68: {  	_ =	swait.ge [sflag:s20], $0x3200  }
0x69: {  	s7 =	simm.s32 $0xC80;
	s10 =	simm.s32 $0x708;
	[sflag:s20] =	ssyncset.done $0x0  }
0x6a: {  	s8 =	sadd.s32 $0x3200, s14;
	s9 =	simm.s32 $0x788;
	[sflag:s20] =	ssyncadd.s32 $0xFFFFCE00  }
0x6b: {  	[tilespmem:s21], [sflag:$0x2] =	stream.indirect.gather [hbm4b:s3+s16], $0x40, s10, s16, $0xb8;
	[tilespmem:$0x12C00] =	vst v63  }
.LBB2_2:
0x6c: {  	[tilespmem:s23], [sflag:$0x2] =	stream.indirect.gather [hbm4b:s3+s18], $0x40, s9, s18, $0xb8;
	[tilespmem:$0x12C00] =	vst v63  }
0x6d: {  	s9 =	smov.u32 s7  }
0x6e: {  	p0 =	sne.s32 s7, $0x16A80;
	s7 =	sadd.s32 $0xC80, s7;
	_ =	swait.ge [sflag:s24], $0x3200  }
0x6f: {  	[sflag:s24] =	ssyncset.done $0x0  }
0x70: {  	[sflag:s24] =	ssyncadd.s32 $0xFFFFCE00  }
0x71: {  	[hbm4b:s8+s25] =	stream.strided.scatter [tilespmem:s17], [sflag:$0x5], $0x3200, s16, s25, $0x38;
	[tilespmem:$0x12C00] =	vst v63  }
0x72: {  	_ =	swait.ge [sflag:s2], $0x3200  }
0x73: {  	s9 =	sshra.s32 s9, $0x2;
	[sflag:s2] =	ssyncset.done $0x0  }
0x74: {  	s10 =	sadd.s32 $0x4B0, s9;
	[sflag:s2] =	ssyncadd.s32 $0xFFFFCE00  }
0x75: {  	[tilespmem:s28], [sflag:$0x3] =	stream.indirect.gather [hbm4b:s3+s16], $0x40, s10, s16, $0xb8;
	[tilespmem:$0x12C00] =	vst v63  }
0x76: {  	s10 =	sadd.s32 $0x530, s9  }
0x77: {  	[tilespmem:s30], [sflag:$0x3] =	stream.indirect.gather [hbm4b:s3+s18], $0x40, s10, s18, $0xb8;
	[tilespmem:$0x12C00] =	vst v63  }
0x78: {  	_ =	swait.ge [sflag:s31], $0x3200  }
0x79: {  	[sflag:s31] =	ssyncset.done $0x0  }
0x7a: {  	s10 =	sadd.s32 $0xC80, s8;
	[sflag:s31] =	ssyncadd.s32 $0xFFFFCE00  }
0x7b: {  	[hbm4b:s10+s25] =	stream.strided.scatter [tilespmem:s21], [sflag:$0x6], $0x3200, s16, s25, $0x38;
	[tilespmem:$0x12C00] =	vst v63  }
0x7c: {  	_ =	swait.ge [sflag:s5], $0x3200  }
0x7d: {  	[sflag:s5] =	ssyncset.done $0x0  }
0x7e: {  	s10 =	sadd.s32 $0x578, s9;
	[sflag:s5] =	ssyncadd.s32 $0xFFFFCE00  }
0x7f: {  	[tilespmem:s0], [sflag:$0x4] =	stream.indirect.gather [hbm4b:s3+s16], $0x40, s10, s16, $0xb8;
	[tilespmem:$0x12C00] =	vst v63  }
0x80: {  	s10 =	sadd.s32 $0x5F8, s9  }
0x81: {  	[tilespmem:s22], [sflag:$0x4] =	stream.indirect.gather [hbm4b:s3+s18], $0x40, s10, s18, $0xb8;
	[tilespmem:$0x12C00] =	vst v63  }
0x82: {  	_ =	swait.ge [sflag:s26], $0x3200  }
0x83: {  	[sflag:s26] =	ssyncset.done $0x0  }
0x84: {  	s10 =	sadd.s32 $0x1900, s8;
	[sflag:s26] =	ssyncadd.s32 $0xFFFFCE00  }
0x85: {  	[hbm4b:s10+s25] =	stream.strided.scatter [tilespmem:s28], [sflag:$0x7], $0x3200, s16, s25, $0x38;
	[tilespmem:$0x12C00] =	vst v63  }
0x86: {  	_ =	swait.ge [sflag:s29], $0x3200  }
0x87: {  	[sflag:s29] =	ssyncset.done $0x0  }
0x88: {  	s10 =	sadd.s32 $0x640, s9;
	[sflag:s29] =	ssyncadd.s32 $0xFFFFCE00  }
0x89: {  	[tilespmem:s17], [sflag:$0x1] =	stream.indirect.gather [hbm4b:s3+s16], $0x40, s10, s16, $0xb8;
	[tilespmem:$0x12C00] =	vst v63  }
0x8a: {  	s10 =	sadd.s32 $0x6C0, s9  }
0x8b: {  	[tilespmem:s19], [sflag:$0x1] =	stream.indirect.gather [hbm4b:s3+s18], $0x40, s10, s18, $0xb8;
	[tilespmem:$0x12C00] =	vst v63  }
0x8c: {  	_ =	swait.ge [sflag:s1], $0x3200  }
0x8d: {  	[sflag:s1] =	ssyncset.done $0x0  }
0x8e: {  	s10 =	sadd.s32 $0x2580, s8;
	[sflag:s1] =	ssyncadd.s32 $0xFFFFCE00  }
0x8f: {  	[hbm4b:s10+s25] =	stream.strided.scatter [tilespmem:s0], [sflag:$0x8], $0x3200, s16, s25, $0x38;
	[tilespmem:$0x12C00] =	vst v63  }
.Ltmp0:
0x90: {  	_ =	swait.ge [sflag:s20], $0x3200;
	(pc) =	sbr.rel @p0 .LBB2_2-.Ltmp0, $4  }
0x91: {  	[sflag:s20] =	ssyncset.done $0x0  }
0x92: {  	s10 =	sadd.s32 $0x708, s9;
	[sflag:s20] =	ssyncadd.s32 $0xFFFFCE00  }
0x93: {  	[tilespmem:s21], [sflag:$0x2] =	stream.indirect.gather [hbm4b:s3+s16], $0x40, s10, s16, $0xb8;
	[tilespmem:$0x12C00] =	vst v63  }
0x94: {  	s8 =	sadd.s32 $0x3200, s8;
	s9 =	sadd.s32 $0x788, s9  }
0x95: {  	[tilespmem:s23], [sflag:$0x2] =	stream.indirect.gather [hbm4b:s3+s18], $0x40, s9, s18, $0xb8;
	[tilespmem:$0x12C00] =	vst v63  }
0x96: {  	_ =	swait.ge [sflag:s24], $0x3200  }
0x97: {  	[sflag:s24] =	ssyncset.done $0x0  }
0x98: {  	s7 =	rddreg [dreg:$0x7];
	[sflag:s24] =	ssyncadd.s32 $0xFFFFCE00  }
0x99: {  	[hbm4b:s7+s25] =	stream.strided.scatter [tilespmem:s17], [sflag:$0x5], $0x3200, s16, s25, $0x38;
	[tilespmem:$0x12C00] =	vst v63  }
0x9a: {  	_ =	swait.ge [sflag:s2], $0x3200  }
0x9b: {  	[sflag:s2] =	ssyncset.done $0x0  }
0x9c: {  	s9 =	simm.s32 $0x6270;
	[sflag:s2] =	ssyncadd.s32 $0xFFFFCE00  }
0x9d: {  	[tilespmem:s28], [sflag:$0x3] =	stream.indirect.gather [hbm4b:s3+s16], $0x40, s9, s16, $0xb8;
	[tilespmem:$0x12C00] =	vst v63  }
0x9e: {  	s10 =	simm.s32 $0x62F0  }
0x9f: {  	[tilespmem:s30], [sflag:$0x3] =	stream.indirect.gather [hbm4b:s3+s18], $0x40, s10, s18, $0xb8;
	[tilespmem:$0x12C00] =	vst v63  }
0xa0: {  	_ =	swait.ge [sflag:s31], $0x3200  }
0xa1: {  	[sflag:s31] =	ssyncset.done $0x0  }
0xa2: {  	s8 =	rddreg [dreg:$0x8];
	[sflag:s31] =	ssyncadd.s32 $0xFFFFCE00  }
0xa3: {  	[hbm4b:s8+s25] =	stream.strided.scatter [tilespmem:s21], [sflag:$0x6], $0x3200, s16, s25, $0x38;
	[tilespmem:$0x12C00] =	vst v63  }
0xa4: {  	_ =	swait.ge [sflag:s5], $0x3200  }
0xa5: {  	[sflag:s5] =	ssyncset.done $0x0  }
0xa6: {  	s9 =	simm.s32 $0x6338;
	[sflag:s5] =	ssyncadd.s32 $0xFFFFCE00  }
0xa7: {  	[tilespmem:s0], [sflag:$0x4] =	stream.indirect.gather [hbm4b:s3+s16], $0x40, s9, s16, $0xb8;
	[tilespmem:$0x12C00] =	vst v63  }
0xa8: {  	s10 =	simm.s32 $0x63B8  }
0xa9: {  	[tilespmem:s22], [sflag:$0x4] =	stream.indirect.gather [hbm4b:s3+s18], $0x40, s10, s18, $0xb8;
	[tilespmem:$0x12C00] =	vst v63  }
0xaa: {  	_ =	swait.ge [sflag:s26], $0x3200  }
0xab: {  	[sflag:s26] =	ssyncset.done $0x0  }
0xac: {  	[sflag:s26] =	ssyncadd.s32 $0xFFFFCE00  }
0xad: {  	[hbm4b:s11+s25] =	stream.strided.scatter [tilespmem:s28], [sflag:$0x7], $0x3200, s16, s25, $0x38;
	[tilespmem:$0x12C00] =	vst v63  }
0xae: {  	_ =	swait.ge [sflag:s1], $0x3200  }
0xaf: {  	[sflag:s1] =	ssyncset.done $0x0  }
0xb0: {  	[sflag:s1] =	ssyncadd.s32 $0xFFFFCE00  }
0xb1: {  	[hbm4b:s12+s25] =	stream.strided.scatter [tilespmem:s0], [sflag:$0x8], $0x3200, s16, s25, $0x38;
	[tilespmem:$0x12C00] =	vst v63  }
0xb2: {  	_ =	swait.ge [sflag:s29], $0x3200  }
0xb3: {  	[sflag:s29] =	ssyncset.done $0x0  }
0xb4: {  	[sflag:s29] =	ssyncadd.s32 $0xFFFFCE00  }
0xb5: {  	_ =	swait.ge [sflag:s20], $0x3200  }
0xb6: {  	[sflag:s20] =	ssyncset.done $0x0  }
0xb7: {  	s6 =	sadd.s32 $0x1, s6;
	[sflag:s20] =	ssyncadd.s32 $0xFFFFCE00  }
0xb8: {  	p0 =	sne.s32 s6, s13;
	_ =	swait.ge [sflag:s2], $0x3200  }
.Ltmp1:
0xb9: {  	[sflag:s2] =	ssyncset.done $0x0;
	(pc) =	sbr.rel @p0 .LBB2_1-.Ltmp1, $4  }
0xba: {  	[sflag:s2] =	ssyncadd.s32 $0xFFFFCE00  }
0xbb: {  	_ =	swait.ge [sflag:s5], $0x3200  }
0xbc: {  	[sflag:s5] =	ssyncset.done $0x0  }
0xbd: {  	[sflag:s5] =	ssyncadd.s32 $0xFFFFCE00  }
0xbe: {  	_ =	sfence.sel $0x180000  }
0xbf: {  	[bflag:$0x0] =	sbarrier.arrive $0xFFFF  }
0xc0: {  	_ =	strace $0x90000047  }
0xc1: {  	s0 =	stileid.u32;
	[bflag:$0x2] =	sbarrier.arrive $0xFFFF  }
0xc2: {  	p0 =	sne.s32 s0, $0x0;
	s0 =	rddreg [dreg:$0x2]  }
0xc3: {  	s0 =	sadd.s32 @!p0 $0x100000, s0  }
0xc4: {  	[sflag:s0] =	ssyncadd.tile.s32 @!p0 $0x1;
	_ =	shalt  }
.Lfunc_end2:
_tile_overlayer_lowered:
.L_overlay_start_2:
0xc5: {  	(tag) =	ssettag $0x2  }
0xc6: {  	s0 =	rddreg [dreg:$0x0];
	s2 =	stileid.u32  }
0xc7: {  	s1 =	rddreg [dreg:$0x1];
	p0 =	sne.s32 s2, $0x0  }
0xc8: {  	s3 =	rddreg [dreg:$0x2];
	[bflag:$0x3] =	sbarrier.arrive $0xFFFF;
	s2 =	simm.s32 @!p0 $0x1C09  }
0xc9: {  	[timem:s3], [sflag:s2] =	dma.local @!p0 [hbm:s0], s1  }
0xca: {  	s0 =	simm.s32 @!p0 $0x9  }
0xcb: {  	_ =	swait.ge @!p0 [sflag:s0], s1  }
0xcc: {  	s1 =	ssub.s32 @!p0 $0x0, s1;
	[sflag:s0] =	ssyncset.done @!p0 $0x0  }
0xcd: {  	[sflag:s0] =	ssyncadd.s32 @!p0 s1  }
0xce: {  	[bflag:$0x3] =	sbarrier.arrive $0xFFFF  }
0xcf: {  	_ =	shalt  }

// kernel: sparse-core-data-format-call.cloned.1.call-start
scs
called_computation_lowered:
.L_overlay_start_0:
0x0: {  	s2 =	sld [smem:$0x3FD9]  }
0x1: {  	s3 =	sld [smem:$0x3FFE];
	_ =	sdelay $0x1  }
0x2: {  	s1 =	srdreg.scid  }
0x3: {  	s0 =	sand.u32 $0x1, s1  }
0x4: {  	s18 =	sshll.u32 s0, $0xA;
	s2 =	sadd.s32 s3, s2  }
0x5: {  	s2 =	sadd.s32 s2, s18  }
0x6: {  	[smem:$0x3FC6] =	sst s2  }
0x7: {  	_ = 	snop  }
0x8: {  	s2 =	sld [smem:$0x3FD0];
	(tm) =	ssettm $0x1  }
0x9: {  	s19 =	sld [smem:$0x3FFB];
	_ =	sdelay $0x3  }
0xa: {  	_ =	strace s19  }
0xb: {  	s3 =	sld [smem:$0x3FFC];
	_ =	sdelay $0x3  }
0xc: {  	_ =	strace s3  }
0xd: {  	s3 =	sld [smem:$0x3FFD];
	_ =	sdelay $0x3  }
0xe: {  	_ =	strace s3  }
0xf: {  	_ =	strace $0x8FFFFFFF  }
0x10: {  	s20 =	sld [smem:$0x3FDB];
	_ =	sdelay $0x1  }
0x11: {  	s4 =	simm.s32 $_scs_section_size  }
0x12: {  	s5 =	simm.s32 $_size__tile_overlayer_lowered;
	s6 =	simm.s32 $_tile_overlayer_lowered  }
0x13: {  	s23 =	simm.s32 $0x1BFF;
	s22 =	sshll.u32 s6, $0x1;
	s3 =	sadd.s32 s4, s20  }
0x14: {  	s7 =	simm.s32 $0x0;
	s21 =	sshll.u32 s5, $0x1;
	s5 =	sadd.s32 s22, s3  }
0x15: {  	[timem:s7], [sflag:s23] =	dma.local [hbm:s5], s21  }
0x16: {  	_ =	swait.ge [sflag:s23], s21  }
0x17: {  	s4 =	ssub.s32 $0x0, s21;
	[sflag:s23] =	ssyncset.done $0x0  }
0x18: {  	[sflag:s23] =	ssyncadd.s32 s4;
	_ =	sdelay $0x1  }
0x19: {  	s24 =	simm.s32 $0x1B8B  }
0x1a: {  	_ =	swait.ge [sflag:s24], $0x1  }
0x1b: {  	[sflag:s24] =	ssyncset.done $0x0  }
0x1c: {  	s26 =	simm.s32 $0x1B8E;
	s25 =	sld [smem:$0x3FFE];
	[sflag:s24] =	ssyncadd.s32 $0xFFFFFFFF  }
0x1d: {  	s27 =	simm.s32 $execute0_lowered;
	[smem:$0x3FD2] =	sst s26  }
0x1e: {  	s5 =	sshll.u32 s27, $0x1;
	_ =	strace $0x80000049;
	[dreg:$0x1] =	wrdreg $0xFFFFFFFF  }
0x1f: {  	s28 =	simm.s32 $_size_execute0_lowered;
	s3 =	sadd.s32 s3, s5;
	[dreg:$0x0] =	wrdreg $0x0  }
0x20: {  	s5 =	sshll.u32 s28, $0x1;
	[dreg:$0x2] =	wrdreg s3  }
0x21: {  	[dreg:$0x3] =	wrdreg s5  }
0x22: {  	[dreg:$0x4] =	wrdreg $0xC0  }
0x23: {  	_ =	task [dreg:s7], $0x5FFFF  }
0x24: {  	[dreg:$0x1] =	wrdreg $0xFFFFFFFF  }
0x25: {  	[dreg:$0x0] =	wrdreg $0x60  }
0x26: {  	[dreg:$0x2] =	wrdreg s25  }
0x27: {  	[dreg:$0x3] =	wrdreg s2  }
0x28: {  	[dreg:$0x4] =	wrdreg $0x9  }
0x29: {  	_ =	task.clear_ibuf [dreg:s7], $0x5FFFF;
	_ =	strace $0x90000049  }
0x2a: {  	s29 =	simm.s32 $0x9;
	_ =	strace $0x8000004B  }
0x2b: {  	_ =	swait.ge [sflag:s29], $0x1  }
0x2c: {  	[sflag:s29] =	ssyncadd.s32 $0xFFFFFFFF  }
0x2d: {  	_ =	strace $0x9000004B  }
0x2e: {  	_ =	sfence  }
0x2f: {  	s30 =	sld [smem:$0x0];
	_ =	sdelay $0x2  }
0x30: {  	s31 =	sshll.u32 s1, $0xD;
	s1 =	sshrl.u32 s1, $0x2  }
0x31: {  	s3 =	sand.u32 $0x4000, s31;
	s1 =	sadd.s32 s1, s30  }
0x32: {  	s0 =	sor.u32 s3, s0;
	s1 =	sshll.u32 s1, $0x11  }
0x33: {  	s0 =	sor.u32 s1, s0  }
0x34: {  	s0 =	sadd.s32 $0x8F2B, s0  }
0x35: {  	[sflag:s0] =	ssyncadd.remote.s32 $0x1  }
0x36: {  	_ =	sfence.sel $0xFFFF  }
0x37: {  	[dreg:$0x0] =	wrdreg $0xFFFFFFFF;
	(pc) =	sbr.abs _section_cstart, $3  }
0x38: {  	[dreg:$0x1] =	wrdreg $0xFFFFFFFF  }
0x39: {  	_ =	task.clear_ibuf [dreg:s7], $0x2FFFF;
	_ =	strace $0x9FFFFFFF  }
0x3a: {  	(tm) =	ssettm $0x7FFFFFFF  }
0x3b: {  	_ =	shalt  }
tec
execute0_lowered:
.L_overlay_start_1:
0x0: {  	(tag) =	ssettag $0x1  }
0x1: {  	s0 =	srdreg.scid  }
0x2: {  	s1 =	sshll.u32 s0, $0x4  }
0x3: {  	s0 =	stileid.u32;
	s1 =	sand.u32 $0x10, s1  }
0x4: {  	s1 =	sor.u32 s0, s1  }
0x5: {  	s6 =	rddreg [dreg:$0x0];
	s4 =	simm.s32 $0x1;
	s2 =	sshll.u32 s1, $0x7  }
0x6: {  	s7 =	simm.s32 $0x2;
	s12 =	simm.s32 $0x0;
	s1 =	ssub.s32 $0x1000, s2  }
0x7: {  	s8 =	simm.s32 $0x8000;
	s13 =	simm.s32 $0x0;
	s3 =	sand.u32 $0xF80, s1  }
0x8: {  	s9 =	simm.s32 $0x0;
	s5 =	sshrl.u32 s1, $0xC;
	p0 =	sne.s32 s3, $0x0  }
.Ltmp0:
0x9: {  	s1 =	rddreg [dreg:$0x2];
	s4 =	simm.s32 @!p0 $0x0;
	(pc) =	sbr.rel .LBB1_1-.Ltmp0, $4  }
0xa: {  	s11 =	simm.s32 $0x0;
	s3 =	rddreg [dreg:$0x1];
	s5 =	sadd.s32 s4, s5  }
0xb: {  	_ =	strace $0x8000004A;
	s4 =	simm.s32 $0x1;
	s5 =	smul.u32 $0xC8, s5  }
0xc: {  	s6 =	sadd.s32 $0xA00, s6;
	s10 =	smov.u32 s2;
	[sflag:s4] =	ssyncpa.u1 $0x0  }
0xd: {  	p0 =	por $0x0, $0x0;
	[sflag:s7] =	ssyncpa.u1 $0x0;
	s7 =	sor.u32 $0x1, s5  }
.LBB1_4:
0xe: {  	s16 =	sshll.u32 s13, $0x3;
	s17 =	sand.u32 $0x78, s13  }
0xf: {  	s30 =	sand.u32 $0x7E00, s13;
	s12 =	sshll.u32 s12, $0xF;
	s16 =	sand.u32 $0xC00, s16  }
0x10: {  	[tilespmem:s15+$0x810 ss:$0x81] =	vst.msk $0xffff, v2;
	s31 =	sand.u32 $0x7, s13;
	s16 =	sor.u32 s17, s16;
	s17 =	sadd.s32 s3, s30  }
0x11: {  	[tilespmem:s15+$0x1020 ss:$0x81] =	vst.msk $0xffff, v0;
	s13 =	sshll.u32 s31, $0x12;
	s12 =	sadd.s32 s12, s17;
	s16 =	sshrl.u32 s16, $0x3  }
0x12: {  	[tilespmem:s15+$0x0 ss:$0x81] =	vst.msk $0xffff, v1;
	s13 =	sor.u32 $0x400, s13;
	s12 =	sadd.s32 s16, s12  }
0x13: {  	[hbm4b:s12+s13] =	stream.strided.scatter [tilespmem:s14], [sflag:$0x2], $0x2000, s8, s13, $0x20;
	[tilespmem:$0x8080] =	vst v63  }
.LBB1_5:
0x14: {  	s14 =	sadd.s32 $0x1, s9  }
0x15: {  	s12 =	sadd.s32 $0x1000, s10;
	s16 =	smov.u32 s10;
	p2 =	sgt.s32 s14, $0xC7  }
0x16: {  	s16 =	smov.u32 @p2 s12  }
0x17: {  	s14 =	simm.s32 @p2 $0x0;
	p2 =	sgt.s32 s16, $0xFFF  }
0x18: {  	s16 =	smov.u32 @p2 s2;
	p2 =	sne.s32 s11, s7  }
.Ltmp1:
0x19: {  	p1 =	slt.u32 s11, $0x2;
	(pc) =	sbr.rel @!p2 .LBB1_6-.Ltmp1, $4  }
0x1a: {  	s15 =	simm.s32 @!p1 $0x2  }
0x1b: {  	s13 =	smov.u32 s10;
	p0 =	por !p0, !p0;
	_ =	swait.ge @!p1 [sflag:s15], $0x2000  }
0x1c: {  	s12 =	smov.u32 s9;
	[sflag:s15] =	ssyncset.done @!p1 $0x0;
	s9 =	smov.u32 s14  }
0x1d: {  	s11 =	sadd.s32 $0x1, s11;
	[sflag:s15] =	ssyncadd.s32 @!p1 $0xFFFFE000;
	s10 =	smov.u32 s16  }
.LBB1_1:
0x1e: {  	p1 =	sge.u32 s11, s5  }
0x1f: {  	s14 =	sand.u32 @!p1 $0x1FFFFFF, s9  }
0x20: {  	s15 =	smulhi.u32 @!p1 $0x147AE15, s14;
	_ =	sdelay $0x1  }
0x21: {  	s15 =	smul.u32 @!p1 $0xC8, s15  }
0x22: {  	s16 =	sxor.u32 @!p1 $0xFFFFFFFF, s11;
	s17 =	smul.u32 @!p1 $0xC80, s10  }
0x23: {  	s31 =	sadd.s32 $0xFFFFFFFF, s11;
	s16 =	sshll.u32 @!p1 s16, $0xD;
	s14 =	ssub.s32 @!p1 s14, s15  }
0x24: {  	s15 =	sand.u32 @!p1 $0x2000, s16;
	s16 =	sadd.s32 @!p1 s6, s17;
	s14 =	sshll.u32 @!p1 s14, $0x4  }
0x25: {  	s17 =	simm.s32 @!p1 $0x6400;
	s14 =	sadd.s32 @!p1 s14, s16;
	s16 =	simm.s32 @!p1 $0x40  }
0x26: {  	[tilespmem:s15], [sflag:$0x1] =	stream.strided.gather @!p1 [hbm4b:s14+s16], $0x2000, s17, s16, $0x38;
	[tilespmem:$0x8080] =	vst v63  }
0x27: {  	p1 =	sge.u32 s31, s5  }
.Ltmp2:
0x28: {  	_ = 	snop;
	(pc) =	sbr.rel @p1 .LBB1_5-.Ltmp2, $1  }
0x29: {  	_ =	sdelay $0x3  }
0x2a: {  	s14 =	simm.s32 $0x1  }
0x2b: {  	_ =	swait.ge [sflag:s4], $0x2000;
	s14 =	simm.s32 @!p0 $0x0  }
0x2c: {  	[sflag:s4] =	ssyncset.done $0x0;
	s15 =	sshll.u32 s14, $0xD  }
0x2d: {  	[sflag:s4] =	ssyncadd.s32 $0xFFFFE000;
	s18 =	sor.u32 $0x20, s15  }
0x2e: {  	s14 =	smul.u32 $0x8100, s14;
	v3 =	vld [tilespmem:s18+$0x10]  }
0x2f: {  	s30 =	sand.u32 $0x1, s11;
	v2 =	vld [tilespmem:s18+$0xFFFFFFF0]  }
0x30: {  	s15 =	smul.u32 $0x8100, s30;
	s14 =	sshrl.u32 s14, $0x2;
	v0 =	vld [tilespmem:s18+$0x0]  }
0x31: {  	v1 =	vld [tilespmem:s18+$0xFFFFFFE0];
	s16 =	sor.u32 $0x4000, s14  }
0x32: {  	s31 =	sshrl.u32 s15, $0x2;
	s15 =	sadd.s32 $0x0, s16  }
0x33: {  	s17 =	simm.s32 $0x4;
	s18 =	sadd.s32 $0x40, s18;
	s14 =	sor.u32 $0x4000, s31;
	[tilespmem:s15+$0x1830 ss:$0x81] =	vst.msk $0xffff, v3  }
.LBB1_3:
0x34: {  	v3 =	vld [tilespmem:s18+$0x10];
	p1 =	sne.s32 s17, $0x1FC;
	[tilespmem:s15+$0x810 ss:$0x81] =	vst.msk $0xffff, v2;
	s19 =	smov.u32 s17;
	s17 =	sadd.s32 $0x4, s17  }
.Ltmp3:
0x35: {  	v2 =	vld [tilespmem:s18+$0xFFFFFFF0];
	[tilespmem:s15+$0x1020 ss:$0x81] =	vst.msk $0xffff, v0;
	(pc) =	sbr.rel @p1 .LBB1_3-.Ltmp3, $4  }
0x36: {  	v0 =	vld [tilespmem:s18+$0x0];
	[tilespmem:s15+$0x0 ss:$0x81] =	vst.msk $0xffff, v1  }
0x37: {  	s15 =	sshra.s32 s19, $0x2;
	v1 =	vld [tilespmem:s18+$0xFFFFFFE0]  }
0x38: {  	s15 =	sadd.s32 s15, s16  }
0x39: {  	s18 =	sadd.s32 $0x40, s18;
	[tilespmem:s15+$0x1830 ss:$0x81] =	vst.msk $0xffff, v3  }
.Ltmp4:
0x3a: {  	_ = 	snop;
	(pc) =	sbr.rel .LBB1_4-.Ltmp4, $1  }
0x3b: {  	_ =	sdelay $0x3  }
.LBB1_6:
0x3c: {  	_ =	sfence.sel $0x180000  }
0x3d: {  	s2 =	simm.s32 $0x1;
	[bflag:$0x0] =	sbarrier.arrive $0xFFFF  }
0x3e: {  	s31 =	simm.s32 $0x2;
	[sflag:s2] =	ssyncpa.u1 $0x1  }
0x3f: {  	[sflag:s31] =	ssyncpa.u1 $0x1  }
0x40: {  	p0 =	sne.s32 s0, $0x0;
	_ =	strace $0x9000004A  }
0x41: {  	s0 =	sadd.s32 @!p0 $0x100000, s1;
	[bflag:$0x2] =	sbarrier.arrive $0xFFFF  }
0x42: {  	[sflag:s0] =	ssyncadd.tile.s32 @!p0 $0x1;
	_ =	shalt  }
.Lfunc_end1:
_tile_overlayer_lowered:
.L_overlay_start_2:
0x43: {  	(tag) =	ssettag $0x2  }
0x44: {  	s0 =	rddreg [dreg:$0x0];
	s2 =	stileid.u32  }
0x45: {  	s1 =	rddreg [dreg:$0x1];
	p0 =	sne.s32 s2, $0x0  }
0x46: {  	s3 =	rddreg [dreg:$0x2];
	[bflag:$0x3] =	sbarrier.arrive $0xFFFF;
	s2 =	simm.s32 @!p0 $0x1C01  }
0x47: {  	[timem:s3], [sflag:s2] =	dma.local @!p0 [hbm:s0], s1  }
0x48: {  	s0 =	simm.s32 @!p0 $0x1  }
0x49: {  	_ =	swait.ge @!p0 [sflag:s0], s1  }
0x4a: {  	s1 =	ssub.s32 @!p0 $0x0, s1;
	[sflag:s0] =	ssyncset.done @!p0 $0x0  }
0x4b: {  	[sflag:s0] =	ssyncadd.s32 @!p0 s1  }
0x4c: {  	[bflag:$0x3] =	sbarrier.arrive $0xFFFF  }
0x4d: {  	_ =	shalt  }

</sc_bundles>
